<compile_context>
chip_gen: v7x
topology: tpu7x:2x2x1
jax: 0.10.2.dev20260603
libtpu: 0.0.44.dev20260713+nightly
codegen_flags: <defaults>
</compile_context>

<pallas_src>
import functools

import numpy as np
import jax
import jax.numpy as jnp
from jax import lax
from jax.experimental import pallas as pl
from jax.experimental.pallas import tpu as pltpu
from jax.experimental.pallas import tpu_sc as plsc

_NB = 1024

_NC = 2
_NS = 16
_NW = _NC * _NS


def _z_body(x_ref, w_ref, z_ref):
    xb = x_ref[0]
    c = xb.shape[0]
    w2 = w_ref[:, c:]
    z = lax.dot_general(
        xb, w2, (((0,), (1,)), ((), ())),
        preferred_element_type=jnp.float32,
    )
    z_ref[...] = z.astype(jnp.bfloat16)


def _z_stage(x, w):
    b, c, n = x.shape
    o = w.shape[0]
    nblk = n // _NB
    return pl.pallas_call(
        _z_body,
        grid=(b, nblk),
        in_specs=[
            pl.BlockSpec((1, c, _NB), lambda i, j: (i, 0, j)),
            pl.BlockSpec((o, 2 * c), lambda i, j: (0, 0)),
        ],
        out_specs=pl.BlockSpec((_NB, o), lambda i, j: (i * nblk + j, 0)),
        out_shape=jax.ShapeDtypeStruct((b * n, o), jnp.bfloat16),
    )(x, w)


def _y_body(x_ref, w_ref, b_ref, y_ref):
    xb = x_ref[0]
    c = xb.shape[0]
    wd = w_ref[:, :c] - w_ref[:, c:]
    t = lax.dot_general(
        wd, xb, (((1,), (0,)), ((), ())),
        preferred_element_type=jnp.float32,
    )
    y_ref[0] = t + b_ref[...]


def _y_stage(x, w, bias2):
    b, c, n = x.shape
    o = w.shape[0]
    return pl.pallas_call(
        _y_body,
        grid=(b, n // _NB),
        in_specs=[
            pl.BlockSpec((1, c, _NB), lambda i, j: (i, 0, j)),
            pl.BlockSpec((o, 2 * c), lambda i, j: (0, 0)),
            pl.BlockSpec((o, 1), lambda i, j: (0, 0)),
        ],
        out_specs=pl.BlockSpec((1, o, _NB), lambda i, j: (i, 0, j)),
        out_shape=jax.ShapeDtypeStruct((b, o, n), jnp.float32),
    )(x, w, bias2)


def _relu_body(y_ref, g_ref, o_ref):
    gt = g_ref[...].T.astype(jnp.float32)
    o_ref[0] = jnp.maximum(y_ref[0] + gt, 0.0)


def _relu_stage(y, g):
    b, o, n = y.shape
    nblk = n // _NB
    return pl.pallas_call(
        _relu_body,
        grid=(b, nblk),
        in_specs=[
            pl.BlockSpec((1, o, _NB), lambda i, j: (i, 0, j)),
            pl.BlockSpec((_NB, o), lambda i, j: (i * nblk + j, 0)),
        ],
        out_specs=pl.BlockSpec((1, o, _NB), lambda i, j: (i, 0, j)),
        out_shape=jax.ShapeDtypeStruct((b, o, n), jnp.float32),
    )(y, g)


def _make_gather_max(bn, k, o, n_per_batch):
    npw = bn // _NW
    g = 8
    ic = g * k
    nchunk = npw // g

    mesh = plsc.VectorSubcoreMesh(core_axis_name="c", subcore_axis_name="s")

    @functools.partial(
        pl.kernel,
        out_type=jax.ShapeDtypeStruct((bn, o), jnp.bfloat16),
        mesh=mesh,
        compiler_params=pltpu.CompilerParams(use_tc_tiling_on_sc=False),
        scratch_types=[
            pltpu.VMEM((npw * k,), jnp.int32),
            pltpu.VMEM((ic, o), jnp.bfloat16),
            pltpu.VMEM((ic, o), jnp.bfloat16),
            pltpu.VMEM((g, o), jnp.bfloat16),
            pltpu.VMEM((g, o), jnp.bfloat16),
            pltpu.SemaphoreType.DMA,
            pltpu.SemaphoreType.DMA,
            pltpu.SemaphoreType.DMA,
            pltpu.SemaphoreType.DMA,
        ],
    )
    def gather_max(z_hbm, idx_hbm, out_hbm,
                   idx_v, rows0, rows1, out0, out1, g0, g1, s0, s1):
        wid = lax.axis_index("s") * _NC + lax.axis_index("c")
        node_base = wid * npw
        pltpu.sync_copy(idx_hbm.at[0, pl.ds(node_base * k, npw * k)], idx_v)

        off = (node_base // n_per_batch) * n_per_batch
        off_v = jnp.full((16,), off, dtype=jnp.int32)

        def add_off(i, carry):
            sl = pl.ds(i * 16, 16)
            idx_v[sl] = idx_v[sl] + off_v
            return carry

        lax.fori_loop(0, (npw * k) // 16, add_off, 0)

        rows = (rows0, rows1)
        outs = (out0, out1)
        gsems = (g0, g1)
        ssems = (s0, s1)

        def fire(c, s):
            pltpu.make_async_copy(
                z_hbm.at[idx_v.at[pl.ds(c * ic, ic)]], rows[s], gsems[s]
            ).start()

        fire(0, 0)
        fire(1, 1)

        def body(i, carry):
            for s in range(2):
                c = 2 * i + s
                pltpu.make_async_copy(
                    z_hbm.at[idx_v.at[pl.ds(0, ic)]], rows[s], gsems[s]
                ).wait()

                @pl.when(i > 0)
                def _():
                    pltpu.make_async_copy(
                        outs[s], out_hbm.at[pl.ds(node_base, g)], ssems[s]
                    ).wait()

                r = rows[s]
                ov = outs[s]

                def col_body(j, carry2):
                    sl = pl.ds(j * 32, 32)
                    for n in range(g):
                        row0 = n * k
                        m0 = jnp.maximum(r[row0 + 0, sl], r[row0 + 1, sl])
                        m1 = jnp.maximum(r[row0 + 2, sl], r[row0 + 3, sl])
                        m2 = jnp.maximum(r[row0 + 4, sl], r[row0 + 5, sl])
                        m3 = jnp.maximum(r[row0 + 6, sl], r[row0 + 7, sl])
                        m0 = jnp.maximum(m0, m1)
                        m2 = jnp.maximum(m2, m3)
                        m0 = jnp.maximum(m0, m2)
                        ov[n, sl] = jnp.maximum(m0, r[row0 + 8, sl])
                    return carry2

                lax.fori_loop(0, o // 32, col_body, 0)

                pltpu.make_async_copy(
                    ov, out_hbm.at[pl.ds(node_base + c * g, g)], ssems[s]
                ).start()

                @pl.when(c + 2 < nchunk)
                def _():
                    fire(c + 2, s)
            return carry

        lax.fori_loop(0, nchunk // 2, body, 0)

        pltpu.make_async_copy(
            outs[0], out_hbm.at[pl.ds(node_base, g)], ssems[0]).wait()
        pltpu.make_async_copy(
            outs[1], out_hbm.at[pl.ds(node_base, g)], ssems[1]).wait()

    return gather_max


def kernel(x, edge_index, W, b):
    bsz, c, n, _ = x.shape
    o = W.shape[0]
    k = edge_index.shape[-1]

    bias2 = b.reshape(o, 1)
    ei_flat = edge_index.reshape(2, bsz * n * k)

    x3 = x.reshape(bsz, c, n)
    z = _z_stage(x3, W)
    gmax = _make_gather_max(bsz * n, k, o, n)
    gathered = gmax(z, ei_flat)
    y = _y_stage(x3, W, bias2)
    return _relu_stage(y, gathered)[..., None]

# --- scband reference (transcript-rebuilt; emitter-appended) ---
"""Pipeline reference for scband-edge-conv2d-60997125538361 (READ-ONLY COPY).

The authoritative reference and input builder live on the scoring server;
editing this copy changes nothing except your own understanding.
"""

import jax, jax.numpy as jnp
import numpy as np

B, C_IN, N, K = 4, 192, 4096, 9
C_OUT = 192

def setup_inputs(seed: int = 0) -> dict:
    key = jax.random.key(seed)
    k1, k2, k3, k4 = jax.random.split(key, 4)
    x = jax.random.normal(k1, (B, C_IN, N, 1), dtype=jnp.float32)
    edge_index = jax.random.randint(k2, (2, B, N, K), 0, N, dtype=jnp.int32)
    # MLP2dLayer([2*C_IN, C_OUT]) == Conv2d(2*C_IN, C_OUT, kernel=1, bias=True) + ReLU (norm=None)
    W = jax.random.normal(k3, (C_OUT, 2 * C_IN), dtype=jnp.float32) * 0.05
    b = jax.random.normal(k4, (C_OUT,), dtype=jnp.float32) * 0.05
    return {"x": x, "edge_index": edge_index, "W": W, "b": b}


def reference(x, edge_index, W, b):
    # x: [B, C, N, 1]; edge_index: [2, B, N, k] (edge_index[0] = neighbor ids)
    k = edge_index.shape[-1]
    x_flat = x[..., 0]  # [B, C, N]
    idx = edge_index[0]  # [B, N, k]

    # batched_index_select: x_j[b, c, n, kk] = x[b, c, idx[b, n, kk], 0]
    def gather_one(xb, idxb):
        # xb: [C, N], idxb: [N, k] -> [C, N, k]
        return xb[:, idxb]

    x_j = jax.vmap(gather_one)(x_flat, idx)  # [B, C, N, k]
    # get_center_feature: repeat center feature along neighbor dim
    x_i = jnp.broadcast_to(x, x.shape[:3] + (k,))  # [B, C, N, k]

    feat = jnp.concatenate([x_i, x_j - x_i], axis=1)  # [B, 2C, N, k]
    # 1x1 Conv2d + bias + ReLU
    out = jnp.einsum('oc,bcnk->bonk', W, feat) + b[None, :, None, None]
    out = jax.nn.relu(out)
    # aggr = max over neighbor dim, keepdim
    aggr_out = jnp.max(out, axis=-1, keepdims=True)  # [B, C_OUT, N, 1]
    return aggr_out

if __name__ == "__main__":
    import jax
    _d = setup_inputs()
    print(jax.jit(kernel)(*tuple(_d.values())))

</pallas_src>

<mosaic_0001>
#map = affine_map<(d0, d1) -> (0, 0)>
module attributes {stable_mosaic.version = 14 : i64} {
  func.func @gather_max(%arg0: i32, %arg1: i32, %arg2: memref<16384x192xbf16, #tpu.memory_space<hbm>>, %arg3: memref<2x147456xi32, #tpu.memory_space<hbm>>, %arg4: memref<16384x192xbf16, #tpu.memory_space<hbm>>, %arg5: memref<4608xi32, #tpu.memory_space<vmem>>, %arg6: memref<72x192xbf16, #tpu.memory_space<vmem>>, %arg7: memref<72x192xbf16, #tpu.memory_space<vmem>>, %arg8: memref<8x192xbf16, #tpu.memory_space<vmem>>, %arg9: memref<8x192xbf16, #tpu.memory_space<vmem>>, %arg10: memref<!tpu.dma_semaphore, #tpu.memory_space<semaphore_mem>>, %arg11: memref<!tpu.dma_semaphore, #tpu.memory_space<semaphore_mem>>, %arg12: memref<!tpu.dma_semaphore, #tpu.memory_space<semaphore_mem>>, %arg13: memref<!tpu.dma_semaphore, #tpu.memory_space<semaphore_mem>>) attributes {dimension_semantics = [#tpu.dimension_semantics<core_parallel>, #tpu.dimension_semantics<subcore_parallel>], iteration_bounds = array<i64: 2, 16>, scalar_prefetch = 0 : i64, scratch_operands = 9 : i64, tpu.core_type = #tpu.core_type<sc_vector_subcore>, window_params = [{transform_indices = #map}, {transform_indices = #map}, {transform_indices = #map}]} {
    %mul3A = arith.constant 2 : i32
    %mul3A_0 = arith.muli %arg1, %mul3A : i32
    %add3A = arith.addi %mul3A_0, %arg0 : i32
    %mul3A_1 = arith.constant 512 : i32
    %mul3A_2 = arith.muli %add3A, %mul3A_1 : i32
    %mul3A_3 = arith.constant 9 : i32
    %mul3A_4 = arith.muli %mul3A_2, %mul3A_3 : i32
    %run_scoped3A = arith.constant 0 : i32
    "tpu.region"() ({
      %run_scoped3A_50 = tpu.sem_alloc : memref<!tpu.dma_semaphore, #tpu.memory_space<semaphore_mem>>
      %dma_start3A_51 = tpu.memref_slice %arg3[%run_scoped3A, %mul3A_4] : memref<2x147456xi32, #tpu.memory_space<hbm>> -> memref<1x4608xi32, #tpu.memory_space<hbm>>
      %dma_start3A_52 = tpu.memref_squeeze %dma_start3A_51 : memref<1x4608xi32, #tpu.memory_space<hbm>> -> memref<4608xi32, #tpu.memory_space<hbm>>
      %dma_start3A_53 = tpu.memref_slice %arg3[%run_scoped3A, %mul3A_4] : memref<2x147456xi32, #tpu.memory_space<hbm>> -> memref<1x4608xi32, #tpu.memory_space<hbm>>
      %dma_start3A_54 = tpu.memref_squeeze %dma_start3A_53 : memref<1x4608xi32, #tpu.memory_space<hbm>> -> memref<4608xi32, #tpu.memory_space<hbm>>
      tpu.enqueue_dma source(%dma_start3A_54 : memref<4608xi32, #tpu.memory_space<hbm>>) target(%arg5 : memref<4608xi32, #tpu.memory_space<vmem>>) target_semaphore(%run_scoped3A_50 : memref<!tpu.dma_semaphore, #tpu.memory_space<semaphore_mem>>)
      %dma_wait3A_55 = tpu.memref_slice %arg3[%run_scoped3A, %mul3A_4] : memref<2x147456xi32, #tpu.memory_space<hbm>> -> memref<1x4608xi32, #tpu.memory_space<hbm>>
      %dma_wait3A_56 = tpu.memref_squeeze %dma_wait3A_55 : memref<1x4608xi32, #tpu.memory_space<hbm>> -> memref<4608xi32, #tpu.memory_space<hbm>>
      %dma_wait3A_57 = tpu.memref_slice %arg3[%run_scoped3A, %mul3A_4] : memref<2x147456xi32, #tpu.memory_space<hbm>> -> memref<1x4608xi32, #tpu.memory_space<hbm>>
      %dma_wait3A_58 = tpu.memref_squeeze %dma_wait3A_57 : memref<1x4608xi32, #tpu.memory_space<hbm>> -> memref<4608xi32, #tpu.memory_space<hbm>>
      tpu.wait_dma2 semaphore(%run_scoped3A_50 : memref<!tpu.dma_semaphore, #tpu.memory_space<semaphore_mem>>) src(%dma_wait3A_58 : memref<4608xi32, #tpu.memory_space<hbm>>) dst(%arg5 : memref<4608xi32, #tpu.memory_space<vmem>>)
      tpu.yield
    }) : () -> ()
    %jit3A = arith.constant 4096 : i32
    %div3A = arith.divsi %mul3A_2, %jit3A : i32
    %sign3A = arith.constant 0 : i32
    %sign3A_5 = arith.cmpi sgt, %mul3A_2, %sign3A : i32
    %sign3A_6 = arith.extui %sign3A_5 : i1 to i32
    %sign3A_7 = arith.constant 0 : i32
    %sign3A_8 = arith.cmpi slt, %mul3A_2, %sign3A_7 : i32
    %sign3A_9 = arith.extui %sign3A_8 : i1 to i32
    %sign3A_10 = arith.subi %sign3A_6, %sign3A_9 : i32
    %sign3A_11 = arith.constant 0 : i32
    %sign3A_12 = arith.cmpi sgt, %jit3A, %sign3A_11 : i32
    %sign3A_13 = arith.extui %sign3A_12 : i1 to i32
    %sign3A_14 = arith.constant 0 : i32
    %sign3A_15 = arith.cmpi slt, %jit3A, %sign3A_14 : i32
    %sign3A_16 = arith.extui %sign3A_15 : i1 to i32
    %sign3A_17 = arith.subi %sign3A_13, %sign3A_16 : i32
    %ne3A = arith.cmpi ne, %sign3A_10, %sign3A_17 : i32
    %rem3A = arith.remsi %mul3A_2, %jit3A : i32
    %ne3A_18 = arith.constant 0 : i32
    %ne3A_19 = arith.cmpi ne, %rem3A, %ne3A_18 : i32
    %and3A = arith.andi %ne3A, %ne3A_19 : i1
    %sub3A = arith.constant 1 : i32
    %sub3A_20 = arith.subi %div3A, %sub3A : i32
    %select_n3A = arith.select %and3A, %sub3A_20, %div3A : i32
    %mul3A_21 = arith.constant 4096 : i32
    %mul3A_22 = arith.muli %select_n3A, %mul3A_21 : i32
    %broadcast_in_dim3A = vector.broadcast %mul3A_22 : i32 to vector<16xi32>
    %scan3A = arith.constant 0 : i32
    %scan3A_23 = arith.constant 0 : i32
    %scan3A_24 = arith.constant 288 : i32
    %scan3A_25 = arith.addi %scan3A_23, %scan3A_24 : i32
    %scan3A_26 = arith.constant 1 : i32
    scf.for %scan3A_50 = %scan3A_23 to %scan3A_25 step %scan3A_26  : i32 {
      %mul3A_51 = arith.constant 16 : i32
      %mul3A_52 = arith.muli %scan3A_50, %mul3A_51 : i32
      %get3A = arith.index_cast %mul3A_52 : i32 to index
      %get3A_53 = tpu.vector_load %arg5[%get3A] {strides = array<i32>} : memref<4608xi32, #tpu.memory_space<vmem>>, vector<16xi32>,
      %get3A_54 = vector.shape_cast %get3A_53 : vector<16xi32> to vector<16xi32>
      %add3A_55 = arith.addi %get3A_54, %broadcast_in_dim3A : vector<16xi32>
      %swap3A = arith.index_cast %mul3A_52 : i32 to index
      %swap3A_56 = tpu.vector_load %arg5[%swap3A] {strides = array<i32>} : memref<4608xi32, #tpu.memory_space<vmem>>, vector<16xi32>,
      %swap3A_57 = vector.shape_cast %swap3A_56 : vector<16xi32> to vector<16xi32>
      %swap3A_58 = vector.shape_cast %add3A_55 : vector<16xi32> to vector<16xi32>
      tpu.vector_store %arg5[%swap3A], %swap3A_58 {strides = array<i32>} : memref<4608xi32, #tpu.memory_space<vmem>>, vector<16xi32>,
    }
    %scan3A_27 = arith.constant 288 : i32
    %dma_start3A = arith.constant 0 : i32
    %dma_start3A_28 = tpu.memref_slice %arg5[%dma_start3A] : memref<4608xi32, #tpu.memory_space<vmem>> -> memref<72xi32, #tpu.memory_space<vmem>>
    %dma_start3A_29 = arith.constant 0 : i32
    %dma_start3A_30 = arith.constant 0 : i32
    %dma_start3A_31 = tpu.memref_slice %arg2[%dma_start3A_29, %dma_start3A_30] : memref<16384x192xbf16, #tpu.memory_space<hbm>> -> memref<16384x192xbf16, #tpu.memory_space<hbm>>
    tpu.enqueue_indirect_dma source(%dma_start3A_31 : memref<16384x192xbf16, #tpu.memory_space<hbm>>) target(%arg6 : memref<72x192xbf16, #tpu.memory_space<vmem>>) offsets(%dma_start3A_28 : memref<72xi32, #tpu.memory_space<vmem>>) semaphore(%arg10 : memref<!tpu.dma_semaphore, #tpu.memory_space<semaphore_mem>>)
    %dma_start3A_32 = arith.constant 72 : i32
    %dma_start3A_33 = tpu.memref_slice %arg5[%dma_start3A_32] : memref<4608xi32, #tpu.memory_space<vmem>> -> memref<72xi32, #tpu.memory_space<vmem>>
    %dma_start3A_34 = arith.constant 0 : i32
    %dma_start3A_35 = arith.constant 0 : i32
    %dma_start3A_36 = tpu.memref_slice %arg2[%dma_start3A_34, %dma_start3A_35] : memref<16384x192xbf16, #tpu.memory_space<hbm>> -> memref<16384x192xbf16, #tpu.memory_space<hbm>>
    tpu.enqueue_indirect_dma source(%dma_start3A_36 : memref<16384x192xbf16, #tpu.memory_space<hbm>>) target(%arg7 : memref<72x192xbf16, #tpu.memory_space<vmem>>) offsets(%dma_start3A_33 : memref<72xi32, #tpu.memory_space<vmem>>) semaphore(%arg11 : memref<!tpu.dma_semaphore, #tpu.memory_space<semaphore_mem>>)
    %scan3A_37 = arith.constant 0 : i32
    %scan3A_38 = arith.constant 0 : i32
    %scan3A_39 = arith.constant 32 : i32
    %scan3A_40 = arith.addi %scan3A_38, %scan3A_39 : i32
    %scan3A_41 = arith.constant 1 : i32
    scf.for %scan3A_50 = %scan3A_38 to %scan3A_40 step %scan3A_41  : i32 {
      %mul3A_51 = arith.constant 2 : i32
      %mul3A_52 = arith.muli %mul3A_51, %scan3A_50 : i32
      %add3A_53 = arith.constant 0 : i32
      %add3A_54 = arith.addi %mul3A_52, %add3A_53 : i32
      %dma_wait3A_55 = arith.constant 0 : i32
      %dma_wait3A_56 = tpu.memref_slice %arg5[%dma_wait3A_55] : memref<4608xi32, #tpu.memory_space<vmem>> -> memref<72xi32, #tpu.memory_space<vmem>>
      %dma_wait3A_57 = arith.constant 0 : i32
      %dma_wait3A_58 = arith.constant 0 : i32
      %dma_wait3A_59 = tpu.memref_slice %arg2[%dma_wait3A_57, %dma_wait3A_58] : memref<16384x192xbf16, #tpu.memory_space<hbm>> -> memref<16384x192xbf16, #tpu.memory_space<hbm>>
      tpu.wait_indirect_dma semaphore(%arg10 : memref<!tpu.dma_semaphore, #tpu.memory_space<semaphore_mem>>) src(%dma_wait3A_59 : memref<16384x192xbf16, #tpu.memory_space<hbm>>) dst(%arg6 : memref<72x192xbf16, #tpu.memory_space<vmem>>)
      %gt3A = arith.constant 0 : i32
      %gt3A_60 = arith.cmpi sgt, %scan3A_50, %gt3A : i32
      %convert_element_type3A = arith.extui %gt3A_60 : i1 to i32
      %cond3A = arith.constant 0 : i32
      %cond3A_61 = arith.cmpi ne, %convert_element_type3A, %cond3A : i32
      scf.if %cond3A_61 {
        %dma_wait3A_115 = arith.constant 0 : i32
        %dma_wait3A_116 = tpu.memref_slice %arg4[%mul3A_2, %dma_wait3A_115] : memref<16384x192xbf16, #tpu.memory_space<hbm>> -> memref<8x192xbf16, #tpu.memory_space<hbm>>
        %dma_wait3A_117 = arith.constant 0 : i32
        %dma_wait3A_118 = tpu.memref_slice %arg4[%mul3A_2, %dma_wait3A_117] : memref<16384x192xbf16, #tpu.memory_space<hbm>> -> memref<8x192xbf16, #tpu.memory_space<hbm>>
        tpu.wait_dma2 semaphore(%arg12 : memref<!tpu.dma_semaphore, #tpu.memory_space<semaphore_mem>>) src(%arg8 : memref<8x192xbf16, #tpu.memory_space<vmem>>) dst(%dma_wait3A_118 : memref<8x192xbf16, #tpu.memory_space<hbm>>)
      } else {
      }
      %scan3A_62 = arith.constant 0 : i32
      %scan3A_63 = arith.constant 0 : i32
      %scan3A_64 = arith.constant 6 : i32
      %scan3A_65 = arith.addi %scan3A_63, %scan3A_64 : i32
      %scan3A_66 = arith.constant 1 : i32
      scf.for %scan3A_115 = %scan3A_63 to %scan3A_65 step %scan3A_66  : i32 {
        %mul3A_116 = arith.constant 32 : i32
        %mul3A_117 = arith.muli %scan3A_115, %mul3A_116 : i32
        %get3A = arith.constant 0 : i32
        %get3A_118 = arith.index_cast %get3A : i32 to index
        %get3A_119 = arith.index_cast %mul3A_117 : i32 to index
        %get3A_120 = tpu.vector_load %arg6[%get3A_118, %get3A_119] {strides = array<i32>} : memref<72x192xbf16, #tpu.memory_space<vmem>>, vector<1x32xbf16>,
        %get3A_121 = vector.shape_cast %get3A_120 : vector<1x32xbf16> to vector<32xbf16>
        %get3A_122 = arith.constant 1 : i32
        %get3A_123 = arith.index_cast %get3A_122 : i32 to index
        %get3A_124 = arith.index_cast %mul3A_117 : i32 to index
        %get3A_125 = tpu.vector_load %arg6[%get3A_123, %get3A_124] {strides = array<i32>} : memref<72x192xbf16, #tpu.memory_space<vmem>>, vector<1x32xbf16>,
        %get3A_126 = vector.shape_cast %get3A_125 : vector<1x32xbf16> to vector<32xbf16>
        %max3A = arith.maximumf %get3A_121, %get3A_126 : vector<32xbf16>
        %get3A_127 = arith.constant 2 : i32
        %get3A_128 = arith.index_cast %get3A_127 : i32 to index
        %get3A_129 = arith.index_cast %mul3A_117 : i32 to index
        %get3A_130 = tpu.vector_load %arg6[%get3A_128, %get3A_129] {strides = array<i32>} : memref<72x192xbf16, #tpu.memory_space<vmem>>, vector<1x32xbf16>,
        %get3A_131 = vector.shape_cast %get3A_130 : vector<1x32xbf16> to vector<32xbf16>
        %get3A_132 = arith.constant 3 : i32
        %get3A_133 = arith.index_cast %get3A_132 : i32 to index
        %get3A_134 = arith.index_cast %mul3A_117 : i32 to index
        %get3A_135 = tpu.vector_load %arg6[%get3A_133, %get3A_134] {strides = array<i32>} : memref<72x192xbf16, #tpu.memory_space<vmem>>, vector<1x32xbf16>,
        %get3A_136 = vector.shape_cast %get3A_135 : vector<1x32xbf16> to vector<32xbf16>
        %max3A_137 = arith.maximumf %get3A_131, %get3A_136 : vector<32xbf16>
        %get3A_138 = arith.constant 4 : i32
        %get3A_139 = arith.index_cast %get3A_138 : i32 to index
        %get3A_140 = arith.index_cast %mul3A_117 : i32 to index
        %get3A_141 = tpu.vector_load %arg6[%get3A_139, %get3A_140] {strides = array<i32>} : memref<72x192xbf16, #tpu.memory_space<vmem>>, vector<1x32xbf16>,
        %get3A_142 = vector.shape_cast %get3A_141 : vector<1x32xbf16> to vector<32xbf16>
        %get3A_143 = arith.constant 5 : i32
        %get3A_144 = arith.index_cast %get3A_143 : i32 to index
        %get3A_145 = arith.index_cast %mul3A_117 : i32 to index
        %get3A_146 = tpu.vector_load %arg6[%get3A_144, %get3A_145] {strides = array<i32>} : memref<72x192xbf16, #tpu.memory_space<vmem>>, vector<1x32xbf16>,
        %get3A_147 = vector.shape_cast %get3A_146 : vector<1x32xbf16> to vector<32xbf16>
        %max3A_148 = arith.maximumf %get3A_142, %get3A_147 : vector<32xbf16>
        %get3A_149 = arith.constant 6 : i32
        %get3A_150 = arith.index_cast %get3A_149 : i32 to index
        %get3A_151 = arith.index_cast %mul3A_117 : i32 to index
        %get3A_152 = tpu.vector_load %arg6[%get3A_150, %get3A_151] {strides = array<i32>} : memref<72x192xbf16, #tpu.memory_space<vmem>>, vector<1x32xbf16>,
        %get3A_153 = vector.shape_cast %get3A_152 : vector<1x32xbf16> to vector<32xbf16>
        %get3A_154 = arith.constant 7 : i32
        %get3A_155 = arith.index_cast %get3A_154 : i32 to index
        %get3A_156 = arith.index_cast %mul3A_117 : i32 to index
        %get3A_157 = tpu.vector_load %arg6[%get3A_155, %get3A_156] {strides = array<i32>} : memref<72x192xbf16, #tpu.memory_space<vmem>>, vector<1x32xbf16>,
        %get3A_158 = vector.shape_cast %get3A_157 : vector<1x32xbf16> to vector<32xbf16>
        %max3A_159 = arith.maximumf %get3A_153, %get3A_158 : vector<32xbf16>
        %max3A_160 = arith.maximumf %max3A, %max3A_137 : vector<32xbf16>
        %max3A_161 = arith.maximumf %max3A_148, %max3A_159 : vector<32xbf16>
        %max3A_162 = arith.maximumf %max3A_160, %max3A_161 : vector<32xbf16>
        %get3A_163 = arith.constant 8 : i32
        %get3A_164 = arith.index_cast %get3A_163 : i32 to index
        %get3A_165 = arith.index_cast %mul3A_117 : i32 to index
        %get3A_166 = tpu.vector_load %arg6[%get3A_164, %get3A_165] {strides = array<i32>} : memref<72x192xbf16, #tpu.memory_space<vmem>>, vector<1x32xbf16>,
        %get3A_167 = vector.shape_cast %get3A_166 : vector<1x32xbf16> to vector<32xbf16>
        %max3A_168 = arith.maximumf %max3A_162, %get3A_167 : vector<32xbf16>
        %swap3A = arith.constant 0 : i32
        %swap3A_169 = arith.index_cast %swap3A : i32 to index
        %swap3A_170 = arith.index_cast %mul3A_117 : i32 to index
        %swap3A_171 = tpu.vector_load %arg8[%swap3A_169, %swap3A_170] {strides = array<i32>} : memref<8x192xbf16, #tpu.memory_space<vmem>>, vector<1x32xbf16>,
        %swap3A_172 = vector.shape_cast %swap3A_171 : vector<1x32xbf16> to vector<32xbf16>
        %swap3A_173 = vector.shape_cast %max3A_168 : vector<32xbf16> to vector<1x32xbf16>
        tpu.vector_store %arg8[%swap3A_169, %swap3A_170], %swap3A_173 {strides = array<i32>} : memref<8x192xbf16, #tpu.memory_space<vmem>>, vector<1x32xbf16>,
        %get3A_174 = arith.constant 9 : i32
        %get3A_175 = arith.index_cast %get3A_174 : i32 to index
        %get3A_176 = arith.index_cast %mul3A_117 : i32 to index
        %get3A_177 = tpu.vector_load %arg6[%get3A_175, %get3A_176] {strides = array<i32>} : memref<72x192xbf16, #tpu.memory_space<vmem>>, vector<1x32xbf16>,
        %get3A_178 = vector.shape_cast %get3A_177 : vector<1x32xbf16> to vector<32xbf16>
        %get3A_179 = arith.constant 10 : i32
        %get3A_180 = arith.index_cast %get3A_179 : i32 to index
        %get3A_181 = arith.index_cast %mul3A_117 : i32 to index
        %get3A_182 = tpu.vector_load %arg6[%get3A_180, %get3A_181] {strides = array<i32>} : memref<72x192xbf16, #tpu.memory_space<vmem>>, vector<1x32xbf16>,
        %get3A_183 = vector.shape_cast %get3A_182 : vector<1x32xbf16> to vector<32xbf16>
        %max3A_184 = arith.maximumf %get3A_178, %get3A_183 : vector<32xbf16>
        %get3A_185 = arith.constant 11 : i32
        %get3A_186 = arith.index_cast %get3A_185 : i32 to index
        %get3A_187 = arith.index_cast %mul3A_117 : i32 to index
        %get3A_188 = tpu.vector_load %arg6[%get3A_186, %get3A_187] {strides = array<i32>} : memref<72x192xbf16, #tpu.memory_space<vmem>>, vector<1x32xbf16>,
        %get3A_189 = vector.shape_cast %get3A_188 : vector<1x32xbf16> to vector<32xbf16>
        %get3A_190 = arith.constant 12 : i32
        %get3A_191 = arith.index_cast %get3A_190 : i32 to index
        %get3A_192 = arith.index_cast %mul3A_117 : i32 to index
        %get3A_193 = tpu.vector_load %arg6[%get3A_191, %get3A_192] {strides = array<i32>} : memref<72x192xbf16, #tpu.memory_space<vmem>>, vector<1x32xbf16>,
        %get3A_194 = vector.shape_cast %get3A_193 : vector<1x32xbf16> to vector<32xbf16>
        %max3A_195 = arith.maximumf %get3A_189, %get3A_194 : vector<32xbf16>
        %get3A_196 = arith.constant 13 : i32
        %get3A_197 = arith.index_cast %get3A_196 : i32 to index
        %get3A_198 = arith.index_cast %mul3A_117 : i32 to index
        %get3A_199 = tpu.vector_load %arg6[%get3A_197, %get3A_198] {strides = array<i32>} : memref<72x192xbf16, #tpu.memory_space<vmem>>, vector<1x32xbf16>,
        %get3A_200 = vector.shape_cast %get3A_199 : vector<1x32xbf16> to vector<32xbf16>
        %get3A_201 = arith.constant 14 : i32
        %get3A_202 = arith.index_cast %get3A_201 : i32 to index
        %get3A_203 = arith.index_cast %mul3A_117 : i32 to index
        %get3A_204 = tpu.vector_load %arg6[%get3A_202, %get3A_203] {strides = array<i32>} : memref<72x192xbf16, #tpu.memory_space<vmem>>, vector<1x32xbf16>,
        %get3A_205 = vector.shape_cast %get3A_204 : vector<1x32xbf16> to vector<32xbf16>
        %max3A_206 = arith.maximumf %get3A_200, %get3A_205 : vector<32xbf16>
        %get3A_207 = arith.constant 15 : i32
        %get3A_208 = arith.index_cast %get3A_207 : i32 to index
        %get3A_209 = arith.index_cast %mul3A_117 : i32 to index
        %get3A_210 = tpu.vector_load %arg6[%get3A_208, %get3A_209] {strides = array<i32>} : memref<72x192xbf16, #tpu.memory_space<vmem>>, vector<1x32xbf16>,
        %get3A_211 = vector.shape_cast %get3A_210 : vector<1x32xbf16> to vector<32xbf16>
        %get3A_212 = arith.constant 16 : i32
        %get3A_213 = arith.index_cast %get3A_212 : i32 to index
        %get3A_214 = arith.index_cast %mul3A_117 : i32 to index
        %get3A_215 = tpu.vector_load %arg6[%get3A_213, %get3A_214] {strides = array<i32>} : memref<72x192xbf16, #tpu.memory_space<vmem>>, vector<1x32xbf16>,
        %get3A_216 = vector.shape_cast %get3A_215 : vector<1x32xbf16> to vector<32xbf16>
        %max3A_217 = arith.maximumf %get3A_211, %get3A_216 : vector<32xbf16>
        %max3A_218 = arith.maximumf %max3A_184, %max3A_195 : vector<32xbf16>
        %max3A_219 = arith.maximumf %max3A_206, %max3A_217 : vector<32xbf16>
        %max3A_220 = arith.maximumf %max3A_218, %max3A_219 : vector<32xbf16>
        %get3A_221 = arith.constant 17 : i32
        %get3A_222 = arith.index_cast %get3A_221 : i32 to index
        %get3A_223 = arith.index_cast %mul3A_117 : i32 to index
        %get3A_224 = tpu.vector_load %arg6[%get3A_222, %get3A_223] {strides = array<i32>} : memref<72x192xbf16, #tpu.memory_space<vmem>>, vector<1x32xbf16>,
        %get3A_225 = vector.shape_cast %get3A_224 : vector<1x32xbf16> to vector<32xbf16>
        %max3A_226 = arith.maximumf %max3A_220, %get3A_225 : vector<32xbf16>
        %swap3A_227 = arith.constant 1 : i32
        %swap3A_228 = arith.index_cast %swap3A_227 : i32 to index
        %swap3A_229 = arith.index_cast %mul3A_117 : i32 to index
        %swap3A_230 = tpu.vector_load %arg8[%swap3A_228, %swap3A_229] {strides = array<i32>} : memref<8x192xbf16, #tpu.memory_space<vmem>>, vector<1x32xbf16>,
        %swap3A_231 = vector.shape_cast %swap3A_230 : vector<1x32xbf16> to vector<32xbf16>
        %swap3A_232 = vector.shape_cast %max3A_226 : vector<32xbf16> to vector<1x32xbf16>
        tpu.vector_store %arg8[%swap3A_228, %swap3A_229], %swap3A_232 {strides = array<i32>} : memref<8x192xbf16, #tpu.memory_space<vmem>>, vector<1x32xbf16>,
        %get3A_233 = arith.constant 18 : i32
        %get3A_234 = arith.index_cast %get3A_233 : i32 to index
        %get3A_235 = arith.index_cast %mul3A_117 : i32 to index
        %get3A_236 = tpu.vector_load %arg6[%get3A_234, %get3A_235] {strides = array<i32>} : memref<72x192xbf16, #tpu.memory_space<vmem>>, vector<1x32xbf16>,
        %get3A_237 = vector.shape_cast %get3A_236 : vector<1x32xbf16> to vector<32xbf16>
        %get3A_238 = arith.constant 19 : i32
        %get3A_239 = arith.index_cast %get3A_238 : i32 to index
        %get3A_240 = arith.index_cast %mul3A_117 : i32 to index
        %get3A_241 = tpu.vector_load %arg6[%get3A_239, %get3A_240] {strides = array<i32>} : memref<72x192xbf16, #tpu.memory_space<vmem>>, vector<1x32xbf16>,
        %get3A_242 = vector.shape_cast %get3A_241 : vector<1x32xbf16> to vector<32xbf16>
        %max3A_243 = arith.maximumf %get3A_237, %get3A_242 : vector<32xbf16>
        %get3A_244 = arith.constant 20 : i32
        %get3A_245 = arith.index_cast %get3A_244 : i32 to index
        %get3A_246 = arith.index_cast %mul3A_117 : i32 to index
        %get3A_247 = tpu.vector_load %arg6[%get3A_245, %get3A_246] {strides = array<i32>} : memref<72x192xbf16, #tpu.memory_space<vmem>>, vector<1x32xbf16>,
        %get3A_248 = vector.shape_cast %get3A_247 : vector<1x32xbf16> to vector<32xbf16>
        %get3A_249 = arith.constant 21 : i32
        %get3A_250 = arith.index_cast %get3A_249 : i32 to index
        %get3A_251 = arith.index_cast %mul3A_117 : i32 to index
        %get3A_252 = tpu.vector_load %arg6[%get3A_250, %get3A_251] {strides = array<i32>} : memref<72x192xbf16, #tpu.memory_space<vmem>>, vector<1x32xbf16>,
        %get3A_253 = vector.shape_cast %get3A_252 : vector<1x32xbf16> to vector<32xbf16>
        %max3A_254 = arith.maximumf %get3A_248, %get3A_253 : vector<32xbf16>
        %get3A_255 = arith.constant 22 : i32
        %get3A_256 = arith.index_cast %get3A_255 : i32 to index
        %get3A_257 = arith.index_cast %mul3A_117 : i32 to index
        %get3A_258 = tpu.vector_load %arg6[%get3A_256, %get3A_257] {strides = array<i32>} : memref<72x192xbf16, #tpu.memory_space<vmem>>, vector<1x32xbf16>,
        %get3A_259 = vector.shape_cast %get3A_258 : vector<1x32xbf16> to vector<32xbf16>
        %get3A_260 = arith.constant 23 : i32
        %get3A_261 = arith.index_cast %get3A_260 : i32 to index
        %get3A_262 = arith.index_cast %mul3A_117 : i32 to index
        %get3A_263 = tpu.vector_load %arg6[%get3A_261, %get3A_262] {strides = array<i32>} : memref<72x192xbf16, #tpu.memory_space<vmem>>, vector<1x32xbf16>,
        %get3A_264 = vector.shape_cast %get3A_263 : vector<1x32xbf16> to vector<32xbf16>
        %max3A_265 = arith.maximumf %get3A_259, %get3A_264 : vector<32xbf16>
        %get3A_266 = arith.constant 24 : i32
        %get3A_267 = arith.index_cast %get3A_266 : i32 to index
        %get3A_268 = arith.index_cast %mul3A_117 : i32 to index
        %get3A_269 = tpu.vector_load %arg6[%get3A_267, %get3A_268] {strides = array<i32>} : memref<72x192xbf16, #tpu.memory_space<vmem>>, vector<1x32xbf16>,
        %get3A_270 = vector.shape_cast %get3A_269 : vector<1x32xbf16> to vector<32xbf16>
        %get3A_271 = arith.constant 25 : i32
        %get3A_272 = arith.index_cast %get3A_271 : i32 to index
        %get3A_273 = arith.index_cast %mul3A_117 : i32 to index
        %get3A_274 = tpu.vector_load %arg6[%get3A_272, %get3A_273] {strides = array<i32>} : memref<72x192xbf16, #tpu.memory_space<vmem>>, vector<1x32xbf16>,
        %get3A_275 = vector.shape_cast %get3A_274 : vector<1x32xbf16> to vector<32xbf16>
        %max3A_276 = arith.maximumf %get3A_270, %get3A_275 : vector<32xbf16>
        %max3A_277 = arith.maximumf %max3A_243, %max3A_254 : vector<32xbf16>
        %max3A_278 = arith.maximumf %max3A_265, %max3A_276 : vector<32xbf16>
        %max3A_279 = arith.maximumf %max3A_277, %max3A_278 : vector<32xbf16>
        %get3A_280 = arith.constant 26 : i32
        %get3A_281 = arith.index_cast %get3A_280 : i32 to index
        %get3A_282 = arith.index_cast %mul3A_117 : i32 to index
        %get3A_283 = tpu.vector_load %arg6[%get3A_281, %get3A_282] {strides = array<i32>} : memref<72x192xbf16, #tpu.memory_space<vmem>>, vector<1x32xbf16>,
        %get3A_284 = vector.shape_cast %get3A_283 : vector<1x32xbf16> to vector<32xbf16>
        %max3A_285 = arith.maximumf %max3A_279, %get3A_284 : vector<32xbf16>
        %swap3A_286 = arith.constant 2 : i32
        %swap3A_287 = arith.index_cast %swap3A_286 : i32 to index
        %swap3A_288 = arith.index_cast %mul3A_117 : i32 to index
        %swap3A_289 = tpu.vector_load %arg8[%swap3A_287, %swap3A_288] {strides = array<i32>} : memref<8x192xbf16, #tpu.memory_space<vmem>>, vector<1x32xbf16>,
        %swap3A_290 = vector.shape_cast %swap3A_289 : vector<1x32xbf16> to vector<32xbf16>
        %swap3A_291 = vector.shape_cast %max3A_285 : vector<32xbf16> to vector<1x32xbf16>
        tpu.vector_store %arg8[%swap3A_287, %swap3A_288], %swap3A_291 {strides = array<i32>} : memref<8x192xbf16, #tpu.memory_space<vmem>>, vector<1x32xbf16>,
        %get3A_292 = arith.constant 27 : i32
        %get3A_293 = arith.index_cast %get3A_292 : i32 to index
        %get3A_294 = arith.index_cast %mul3A_117 : i32 to index
        %get3A_295 = tpu.vector_load %arg6[%get3A_293, %get3A_294] {strides = array<i32>} : memref<72x192xbf16, #tpu.memory_space<vmem>>, vector<1x32xbf16>,
        %get3A_296 = vector.shape_cast %get3A_295 : vector<1x32xbf16> to vector<32xbf16>
        %get3A_297 = arith.constant 28 : i32
        %get3A_298 = arith.index_cast %get3A_297 : i32 to index
        %get3A_299 = arith.index_cast %mul3A_117 : i32 to index
        %get3A_300 = tpu.vector_load %arg6[%get3A_298, %get3A_299] {strides = array<i32>} : memref<72x192xbf16, #tpu.memory_space<vmem>>, vector<1x32xbf16>,
        %get3A_301 = vector.shape_cast %get3A_300 : vector<1x32xbf16> to vector<32xbf16>
        %max3A_302 = arith.maximumf %get3A_296, %get3A_301 : vector<32xbf16>
        %get3A_303 = arith.constant 29 : i32
        %get3A_304 = arith.index_cast %get3A_303 : i32 to index
        %get3A_305 = arith.index_cast %mul3A_117 : i32 to index
        %get3A_306 = tpu.vector_load %arg6[%get3A_304, %get3A_305] {strides = array<i32>} : memref<72x192xbf16, #tpu.memory_space<vmem>>, vector<1x32xbf16>,
        %get3A_307 = vector.shape_cast %get3A_306 : vector<1x32xbf16> to vector<32xbf16>
        %get3A_308 = arith.constant 30 : i32
        %get3A_309 = arith.index_cast %get3A_308 : i32 to index
        %get3A_310 = arith.index_cast %mul3A_117 : i32 to index
        %get3A_311 = tpu.vector_load %arg6[%get3A_309, %get3A_310] {strides = array<i32>} : memref<72x192xbf16, #tpu.memory_space<vmem>>, vector<1x32xbf16>,
        %get3A_312 = vector.shape_cast %get3A_311 : vector<1x32xbf16> to vector<32xbf16>
        %max3A_313 = arith.maximumf %get3A_307, %get3A_312 : vector<32xbf16>
        %get3A_314 = arith.constant 31 : i32
        %get3A_315 = arith.index_cast %get3A_314 : i32 to index
        %get3A_316 = arith.index_cast %mul3A_117 : i32 to index
        %get3A_317 = tpu.vector_load %arg6[%get3A_315, %get3A_316] {strides = array<i32>} : memref<72x192xbf16, #tpu.memory_space<vmem>>, vector<1x32xbf16>,
        %get3A_318 = vector.shape_cast %get3A_317 : vector<1x32xbf16> to vector<32xbf16>
        %get3A_319 = arith.constant 32 : i32
        %get3A_320 = arith.index_cast %get3A_319 : i32 to index
        %get3A_321 = arith.index_cast %mul3A_117 : i32 to index
        %get3A_322 = tpu.vector_load %arg6[%get3A_320, %get3A_321] {strides = array<i32>} : memref<72x192xbf16, #tpu.memory_space<vmem>>, vector<1x32xbf16>,
        %get3A_323 = vector.shape_cast %get3A_322 : vector<1x32xbf16> to vector<32xbf16>
        %max3A_324 = arith.maximumf %get3A_318, %get3A_323 : vector<32xbf16>
        %get3A_325 = arith.constant 33 : i32
        %get3A_326 = arith.index_cast %get3A_325 : i32 to index
        %get3A_327 = arith.index_cast %mul3A_117 : i32 to index
        %get3A_328 = tpu.vector_load %arg6[%get3A_326, %get3A_327] {strides = array<i32>} : memref<72x192xbf16, #tpu.memory_space<vmem>>, vector<1x32xbf16>,
        %get3A_329 = vector.shape_cast %get3A_328 : vector<1x32xbf16> to vector<32xbf16>
        %get3A_330 = arith.constant 34 : i32
        %get3A_331 = arith.index_cast %get3A_330 : i32 to index
        %get3A_332 = arith.index_cast %mul3A_117 : i32 to index
        %get3A_333 = tpu.vector_load %arg6[%get3A_331, %get3A_332] {strides = array<i32>} : memref<72x192xbf16, #tpu.memory_space<vmem>>, vector<1x32xbf16>,
        %get3A_334 = vector.shape_cast %get3A_333 : vector<1x32xbf16> to vector<32xbf16>
        %max3A_335 = arith.maximumf %get3A_329, %get3A_334 : vector<32xbf16>
        %max3A_336 = arith.maximumf %max3A_302, %max3A_313 : vector<32xbf16>
        %max3A_337 = arith.maximumf %max3A_324, %max3A_335 : vector<32xbf16>
        %max3A_338 = arith.maximumf %max3A_336, %max3A_337 : vector<32xbf16>
        %get3A_339 = arith.constant 35 : i32
        %get3A_340 = arith.index_cast %get3A_339 : i32 to index
        %get3A_341 = arith.index_cast %mul3A_117 : i32 to index
        %get3A_342 = tpu.vector_load %arg6[%get3A_340, %get3A_341] {strides = array<i32>} : memref<72x192xbf16, #tpu.memory_space<vmem>>, vector<1x32xbf16>,
        %get3A_343 = vector.shape_cast %get3A_342 : vector<1x32xbf16> to vector<32xbf16>
        %max3A_344 = arith.maximumf %max3A_338, %get3A_343 : vector<32xbf16>
        %swap3A_345 = arith.constant 3 : i32
        %swap3A_346 = arith.index_cast %swap3A_345 : i32 to index
        %swap3A_347 = arith.index_cast %mul3A_117 : i32 to index
        %swap3A_348 = tpu.vector_load %arg8[%swap3A_346, %swap3A_347] {strides = array<i32>} : memref<8x192xbf16, #tpu.memory_space<vmem>>, vector<1x32xbf16>,
        %swap3A_349 = vector.shape_cast %swap3A_348 : vector<1x32xbf16> to vector<32xbf16>
        %swap3A_350 = vector.shape_cast %max3A_344 : vector<32xbf16> to vector<1x32xbf16>
        tpu.vector_store %arg8[%swap3A_346, %swap3A_347], %swap3A_350 {strides = array<i32>} : memref<8x192xbf16, #tpu.memory_space<vmem>>, vector<1x32xbf16>,
        %get3A_351 = arith.constant 36 : i32
        %get3A_352 = arith.index_cast %get3A_351 : i32 to index
        %get3A_353 = arith.index_cast %mul3A_117 : i32 to index
        %get3A_354 = tpu.vector_load %arg6[%get3A_352, %get3A_353] {strides = array<i32>} : memref<72x192xbf16, #tpu.memory_space<vmem>>, vector<1x32xbf16>,
        %get3A_355 = vector.shape_cast %get3A_354 : vector<1x32xbf16> to vector<32xbf16>
        %get3A_356 = arith.constant 37 : i32
        %get3A_357 = arith.index_cast %get3A_356 : i32 to index
        %get3A_358 = arith.index_cast %mul3A_117 : i32 to index
        %get3A_359 = tpu.vector_load %arg6[%get3A_357, %get3A_358] {strides = array<i32>} : memref<72x192xbf16, #tpu.memory_space<vmem>>, vector<1x32xbf16>,
        %get3A_360 = vector.shape_cast %get3A_359 : vector<1x32xbf16> to vector<32xbf16>
        %max3A_361 = arith.maximumf %get3A_355, %get3A_360 : vector<32xbf16>
        %get3A_362 = arith.constant 38 : i32
        %get3A_363 = arith.index_cast %get3A_362 : i32 to index
        %get3A_364 = arith.index_cast %mul3A_117 : i32 to index
        %get3A_365 = tpu.vector_load %arg6[%get3A_363, %get3A_364] {strides = array<i32>} : memref<72x192xbf16, #tpu.memory_space<vmem>>, vector<1x32xbf16>,
        %get3A_366 = vector.shape_cast %get3A_365 : vector<1x32xbf16> to vector<32xbf16>
        %get3A_367 = arith.constant 39 : i32
        %get3A_368 = arith.index_cast %get3A_367 : i32 to index
        %get3A_369 = arith.index_cast %mul3A_117 : i32 to index
        %get3A_370 = tpu.vector_load %arg6[%get3A_368, %get3A_369] {strides = array<i32>} : memref<72x192xbf16, #tpu.memory_space<vmem>>, vector<1x32xbf16>,
        %get3A_371 = vector.shape_cast %get3A_370 : vector<1x32xbf16> to vector<32xbf16>
        %max3A_372 = arith.maximumf %get3A_366, %get3A_371 : vector<32xbf16>
        %get3A_373 = arith.constant 40 : i32
        %get3A_374 = arith.index_cast %get3A_373 : i32 to index
        %get3A_375 = arith.index_cast %mul3A_117 : i32 to index
        %get3A_376 = tpu.vector_load %arg6[%get3A_374, %get3A_375] {strides = array<i32>} : memref<72x192xbf16, #tpu.memory_space<vmem>>, vector<1x32xbf16>,
        %get3A_377 = vector.shape_cast %get3A_376 : vector<1x32xbf16> to vector<32xbf16>
        %get3A_378 = arith.constant 41 : i32
        %get3A_379 = arith.index_cast %get3A_378 : i32 to index
        %get3A_380 = arith.index_cast %mul3A_117 : i32 to index
        %get3A_381 = tpu.vector_load %arg6[%get3A_379, %get3A_380] {strides = array<i32>} : memref<72x192xbf16, #tpu.memory_space<vmem>>, vector<1x32xbf16>,
        %get3A_382 = vector.shape_cast %get3A_381 : vector<1x32xbf16> to vector<32xbf16>
        %max3A_383 = arith.maximumf %get3A_377, %get3A_382 : vector<32xbf16>
        %get3A_384 = arith.constant 42 : i32
        %get3A_385 = arith.index_cast %get3A_384 : i32 to index
        %get3A_386 = arith.index_cast %mul3A_117 : i32 to index
        %get3A_387 = tpu.vector_load %arg6[%get3A_385, %get3A_386] {strides = array<i32>} : memref<72x192xbf16, #tpu.memory_space<vmem>>, vector<1x32xbf16>,
        %get3A_388 = vector.shape_cast %get3A_387 : vector<1x32xbf16> to vector<32xbf16>
        %get3A_389 = arith.constant 43 : i32
        %get3A_390 = arith.index_cast %get3A_389 : i32 to index
        %get3A_391 = arith.index_cast %mul3A_117 : i32 to index
        %get3A_392 = tpu.vector_load %arg6[%get3A_390, %get3A_391] {strides = array<i32>} : memref<72x192xbf16, #tpu.memory_space<vmem>>, vector<1x32xbf16>,
        %get3A_393 = vector.shape_cast %get3A_392 : vector<1x32xbf16> to vector<32xbf16>
        %max3A_394 = arith.maximumf %get3A_388, %get3A_393 : vector<32xbf16>
        %max3A_395 = arith.maximumf %max3A_361, %max3A_372 : vector<32xbf16>
        %max3A_396 = arith.maximumf %max3A_383, %max3A_394 : vector<32xbf16>
        %max3A_397 = arith.maximumf %max3A_395, %max3A_396 : vector<32xbf16>
        %get3A_398 = arith.constant 44 : i32
        %get3A_399 = arith.index_cast %get3A_398 : i32 to index
        %get3A_400 = arith.index_cast %mul3A_117 : i32 to index
        %get3A_401 = tpu.vector_load %arg6[%get3A_399, %get3A_400] {strides = array<i32>} : memref<72x192xbf16, #tpu.memory_space<vmem>>, vector<1x32xbf16>,
        %get3A_402 = vector.shape_cast %get3A_401 : vector<1x32xbf16> to vector<32xbf16>
        %max3A_403 = arith.maximumf %max3A_397, %get3A_402 : vector<32xbf16>
        %swap3A_404 = arith.constant 4 : i32
        %swap3A_405 = arith.index_cast %swap3A_404 : i32 to index
        %swap3A_406 = arith.index_cast %mul3A_117 : i32 to index
        %swap3A_407 = tpu.vector_load %arg8[%swap3A_405, %swap3A_406] {strides = array<i32>} : memref<8x192xbf16, #tpu.memory_space<vmem>>, vector<1x32xbf16>,
        %swap3A_408 = vector.shape_cast %swap3A_407 : vector<1x32xbf16> to vector<32xbf16>
        %swap3A_409 = vector.shape_cast %max3A_403 : vector<32xbf16> to vector<1x32xbf16>
        tpu.vector_store %arg8[%swap3A_405, %swap3A_406], %swap3A_409 {strides = array<i32>} : memref<8x192xbf16, #tpu.memory_space<vmem>>, vector<1x32xbf16>,
        %get3A_410 = arith.constant 45 : i32
        %get3A_411 = arith.index_cast %get3A_410 : i32 to index
        %get3A_412 = arith.index_cast %mul3A_117 : i32 to index
        %get3A_413 = tpu.vector_load %arg6[%get3A_411, %get3A_412] {strides = array<i32>} : memref<72x192xbf16, #tpu.memory_space<vmem>>, vector<1x32xbf16>,
        %get3A_414 = vector.shape_cast %get3A_413 : vector<1x32xbf16> to vector<32xbf16>
        %get3A_415 = arith.constant 46 : i32
        %get3A_416 = arith.index_cast %get3A_415 : i32 to index
        %get3A_417 = arith.index_cast %mul3A_117 : i32 to index
        %get3A_418 = tpu.vector_load %arg6[%get3A_416, %get3A_417] {strides = array<i32>} : memref<72x192xbf16, #tpu.memory_space<vmem>>, vector<1x32xbf16>,
        %get3A_419 = vector.shape_cast %get3A_418 : vector<1x32xbf16> to vector<32xbf16>
        %max3A_420 = arith.maximumf %get3A_414, %get3A_419 : vector<32xbf16>
        %get3A_421 = arith.constant 47 : i32
        %get3A_422 = arith.index_cast %get3A_421 : i32 to index
        %get3A_423 = arith.index_cast %mul3A_117 : i32 to index
        %get3A_424 = tpu.vector_load %arg6[%get3A_422, %get3A_423] {strides = array<i32>} : memref<72x192xbf16, #tpu.memory_space<vmem>>, vector<1x32xbf16>,
        %get3A_425 = vector.shape_cast %get3A_424 : vector<1x32xbf16> to vector<32xbf16>
        %get3A_426 = arith.constant 48 : i32
        %get3A_427 = arith.index_cast %get3A_426 : i32 to index
        %get3A_428 = arith.index_cast %mul3A_117 : i32 to index
        %get3A_429 = tpu.vector_load %arg6[%get3A_427, %get3A_428] {strides = array<i32>} : memref<72x192xbf16, #tpu.memory_space<vmem>>, vector<1x32xbf16>,
        %get3A_430 = vector.shape_cast %get3A_429 : vector<1x32xbf16> to vector<32xbf16>
        %max3A_431 = arith.maximumf %get3A_425, %get3A_430 : vector<32xbf16>
        %get3A_432 = arith.constant 49 : i32
        %get3A_433 = arith.index_cast %get3A_432 : i32 to index
        %get3A_434 = arith.index_cast %mul3A_117 : i32 to index
        %get3A_435 = tpu.vector_load %arg6[%get3A_433, %get3A_434] {strides = array<i32>} : memref<72x192xbf16, #tpu.memory_space<vmem>>, vector<1x32xbf16>,
        %get3A_436 = vector.shape_cast %get3A_435 : vector<1x32xbf16> to vector<32xbf16>
        %get3A_437 = arith.constant 50 : i32
        %get3A_438 = arith.index_cast %get3A_437 : i32 to index
        %get3A_439 = arith.index_cast %mul3A_117 : i32 to index
        %get3A_440 = tpu.vector_load %arg6[%get3A_438, %get3A_439] {strides = array<i32>} : memref<72x192xbf16, #tpu.memory_space<vmem>>, vector<1x32xbf16>,
        %get3A_441 = vector.shape_cast %get3A_440 : vector<1x32xbf16> to vector<32xbf16>
        %max3A_442 = arith.maximumf %get3A_436, %get3A_441 : vector<32xbf16>
        %get3A_443 = arith.constant 51 : i32
        %get3A_444 = arith.index_cast %get3A_443 : i32 to index
        %get3A_445 = arith.index_cast %mul3A_117 : i32 to index
        %get3A_446 = tpu.vector_load %arg6[%get3A_444, %get3A_445] {strides = array<i32>} : memref<72x192xbf16, #tpu.memory_space<vmem>>, vector<1x32xbf16>,
        %get3A_447 = vector.shape_cast %get3A_446 : vector<1x32xbf16> to vector<32xbf16>
        %get3A_448 = arith.constant 52 : i32
        %get3A_449 = arith.index_cast %get3A_448 : i32 to index
        %get3A_450 = arith.index_cast %mul3A_117 : i32 to index
        %get3A_451 = tpu.vector_load %arg6[%get3A_449, %get3A_450] {strides = array<i32>} : memref<72x192xbf16, #tpu.memory_space<vmem>>, vector<1x32xbf16>,
        %get3A_452 = vector.shape_cast %get3A_451 : vector<1x32xbf16> to vector<32xbf16>
        %max3A_453 = arith.maximumf %get3A_447, %get3A_452 : vector<32xbf16>
        %max3A_454 = arith.maximumf %max3A_420, %max3A_431 : vector<32xbf16>
        %max3A_455 = arith.maximumf %max3A_442, %max3A_453 : vector<32xbf16>
        %max3A_456 = arith.maximumf %max3A_454, %max3A_455 : vector<32xbf16>
        %get3A_457 = arith.constant 53 : i32
        %get3A_458 = arith.index_cast %get3A_457 : i32 to index
        %get3A_459 = arith.index_cast %mul3A_117 : i32 to index
        %get3A_460 = tpu.vector_load %arg6[%get3A_458, %get3A_459] {strides = array<i32>} : memref<72x192xbf16, #tpu.memory_space<vmem>>, vector<1x32xbf16>,
        %get3A_461 = vector.shape_cast %get3A_460 : vector<1x32xbf16> to vector<32xbf16>
        %max3A_462 = arith.maximumf %max3A_456, %get3A_461 : vector<32xbf16>
        %swap3A_463 = arith.constant 5 : i32
        %swap3A_464 = arith.index_cast %swap3A_463 : i32 to index
        %swap3A_465 = arith.index_cast %mul3A_117 : i32 to index
        %swap3A_466 = tpu.vector_load %arg8[%swap3A_464, %swap3A_465] {strides = array<i32>} : memref<8x192xbf16, #tpu.memory_space<vmem>>, vector<1x32xbf16>,
        %swap3A_467 = vector.shape_cast %swap3A_466 : vector<1x32xbf16> to vector<32xbf16>
        %swap3A_468 = vector.shape_cast %max3A_462 : vector<32xbf16> to vector<1x32xbf16>
        tpu.vector_store %arg8[%swap3A_464, %swap3A_465], %swap3A_468 {strides = array<i32>} : memref<8x192xbf16, #tpu.memory_space<vmem>>, vector<1x32xbf16>,
        %get3A_469 = arith.constant 54 : i32
        %get3A_470 = arith.index_cast %get3A_469 : i32 to index
        %get3A_471 = arith.index_cast %mul3A_117 : i32 to index
        %get3A_472 = tpu.vector_load %arg6[%get3A_470, %get3A_471] {strides = array<i32>} : memref<72x192xbf16, #tpu.memory_space<vmem>>, vector<1x32xbf16>,
        %get3A_473 = vector.shape_cast %get3A_472 : vector<1x32xbf16> to vector<32xbf16>
        %get3A_474 = arith.constant 55 : i32
        %get3A_475 = arith.index_cast %get3A_474 : i32 to index
        %get3A_476 = arith.index_cast %mul3A_117 : i32 to index
        %get3A_477 = tpu.vector_load %arg6[%get3A_475, %get3A_476] {strides = array<i32>} : memref<72x192xbf16, #tpu.memory_space<vmem>>, vector<1x32xbf16>,
        %get3A_478 = vector.shape_cast %get3A_477 : vector<1x32xbf16> to vector<32xbf16>
        %max3A_479 = arith.maximumf %get3A_473, %get3A_478 : vector<32xbf16>
        %get3A_480 = arith.constant 56 : i32
        %get3A_481 = arith.index_cast %get3A_480 : i32 to index
        %get3A_482 = arith.index_cast %mul3A_117 : i32 to index
        %get3A_483 = tpu.vector_load %arg6[%get3A_481, %get3A_482] {strides = array<i32>} : memref<72x192xbf16, #tpu.memory_space<vmem>>, vector<1x32xbf16>,
        %get3A_484 = vector.shape_cast %get3A_483 : vector<1x32xbf16> to vector<32xbf16>
        %get3A_485 = arith.constant 57 : i32
        %get3A_486 = arith.index_cast %get3A_485 : i32 to index
        %get3A_487 = arith.index_cast %mul3A_117 : i32 to index
        %get3A_488 = tpu.vector_load %arg6[%get3A_486, %get3A_487] {strides = array<i32>} : memref<72x192xbf16, #tpu.memory_space<vmem>>, vector<1x32xbf16>,
        %get3A_489 = vector.shape_cast %get3A_488 : vector<1x32xbf16> to vector<32xbf16>
        %max3A_490 = arith.maximumf %get3A_484, %get3A_489 : vector<32xbf16>
        %get3A_491 = arith.constant 58 : i32
        %get3A_492 = arith.index_cast %get3A_491 : i32 to index
        %get3A_493 = arith.index_cast %mul3A_117 : i32 to index
        %get3A_494 = tpu.vector_load %arg6[%get3A_492, %get3A_493] {strides = array<i32>} : memref<72x192xbf16, #tpu.memory_space<vmem>>, vector<1x32xbf16>,
        %get3A_495 = vector.shape_cast %get3A_494 : vector<1x32xbf16> to vector<32xbf16>
        %get3A_496 = arith.constant 59 : i32
        %get3A_497 = arith.index_cast %get3A_496 : i32 to index
        %get3A_498 = arith.index_cast %mul3A_117 : i32 to index
        %get3A_499 = tpu.vector_load %arg6[%get3A_497, %get3A_498] {strides = array<i32>} : memref<72x192xbf16, #tpu.memory_space<vmem>>, vector<1x32xbf16>,
        %get3A_500 = vector.shape_cast %get3A_499 : vector<1x32xbf16> to vector<32xbf16>
        %max3A_501 = arith.maximumf %get3A_495, %get3A_500 : vector<32xbf16>
        %get3A_502 = arith.constant 60 : i32
        %get3A_503 = arith.index_cast %get3A_502 : i32 to index
        %get3A_504 = arith.index_cast %mul3A_117 : i32 to index
        %get3A_505 = tpu.vector_load %arg6[%get3A_503, %get3A_504] {strides = array<i32>} : memref<72x192xbf16, #tpu.memory_space<vmem>>, vector<1x32xbf16>,
        %get3A_506 = vector.shape_cast %get3A_505 : vector<1x32xbf16> to vector<32xbf16>
        %get3A_507 = arith.constant 61 : i32
        %get3A_508 = arith.index_cast %get3A_507 : i32 to index
        %get3A_509 = arith.index_cast %mul3A_117 : i32 to index
        %get3A_510 = tpu.vector_load %arg6[%get3A_508, %get3A_509] {strides = array<i32>} : memref<72x192xbf16, #tpu.memory_space<vmem>>, vector<1x32xbf16>,
        %get3A_511 = vector.shape_cast %get3A_510 : vector<1x32xbf16> to vector<32xbf16>
        %max3A_512 = arith.maximumf %get3A_506, %get3A_511 : vector<32xbf16>
        %max3A_513 = arith.maximumf %max3A_479, %max3A_490 : vector<32xbf16>
        %max3A_514 = arith.maximumf %max3A_501, %max3A_512 : vector<32xbf16>
        %max3A_515 = arith.maximumf %max3A_513, %max3A_514 : vector<32xbf16>
        %get3A_516 = arith.constant 62 : i32
        %get3A_517 = arith.index_cast %get3A_516 : i32 to index
        %get3A_518 = arith.index_cast %mul3A_117 : i32 to index
        %get3A_519 = tpu.vector_load %arg6[%get3A_517, %get3A_518] {strides = array<i32>} : memref<72x192xbf16, #tpu.memory_space<vmem>>, vector<1x32xbf16>,
        %get3A_520 = vector.shape_cast %get3A_519 : vector<1x32xbf16> to vector<32xbf16>
        %max3A_521 = arith.maximumf %max3A_515, %get3A_520 : vector<32xbf16>
        %swap3A_522 = arith.constant 6 : i32
        %swap3A_523 = arith.index_cast %swap3A_522 : i32 to index
        %swap3A_524 = arith.index_cast %mul3A_117 : i32 to index
        %swap3A_525 = tpu.vector_load %arg8[%swap3A_523, %swap3A_524] {strides = array<i32>} : memref<8x192xbf16, #tpu.memory_space<vmem>>, vector<1x32xbf16>,
        %swap3A_526 = vector.shape_cast %swap3A_525 : vector<1x32xbf16> to vector<32xbf16>
        %swap3A_527 = vector.shape_cast %max3A_521 : vector<32xbf16> to vector<1x32xbf16>
        tpu.vector_store %arg8[%swap3A_523, %swap3A_524], %swap3A_527 {strides = array<i32>} : memref<8x192xbf16, #tpu.memory_space<vmem>>, vector<1x32xbf16>,
        %get3A_528 = arith.constant 63 : i32
        %get3A_529 = arith.index_cast %get3A_528 : i32 to index
        %get3A_530 = arith.index_cast %mul3A_117 : i32 to index
        %get3A_531 = tpu.vector_load %arg6[%get3A_529, %get3A_530] {strides = array<i32>} : memref<72x192xbf16, #tpu.memory_space<vmem>>, vector<1x32xbf16>,
        %get3A_532 = vector.shape_cast %get3A_531 : vector<1x32xbf16> to vector<32xbf16>
        %get3A_533 = arith.constant 64 : i32
        %get3A_534 = arith.index_cast %get3A_533 : i32 to index
        %get3A_535 = arith.index_cast %mul3A_117 : i32 to index
        %get3A_536 = tpu.vector_load %arg6[%get3A_534, %get3A_535] {strides = array<i32>} : memref<72x192xbf16, #tpu.memory_space<vmem>>, vector<1x32xbf16>,
        %get3A_537 = vector.shape_cast %get3A_536 : vector<1x32xbf16> to vector<32xbf16>
        %max3A_538 = arith.maximumf %get3A_532, %get3A_537 : vector<32xbf16>
        %get3A_539 = arith.constant 65 : i32
        %get3A_540 = arith.index_cast %get3A_539 : i32 to index
        %get3A_541 = arith.index_cast %mul3A_117 : i32 to index
        %get3A_542 = tpu.vector_load %arg6[%get3A_540, %get3A_541] {strides = array<i32>} : memref<72x192xbf16, #tpu.memory_space<vmem>>, vector<1x32xbf16>,
        %get3A_543 = vector.shape_cast %get3A_542 : vector<1x32xbf16> to vector<32xbf16>
        %get3A_544 = arith.constant 66 : i32
        %get3A_545 = arith.index_cast %get3A_544 : i32 to index
        %get3A_546 = arith.index_cast %mul3A_117 : i32 to index
        %get3A_547 = tpu.vector_load %arg6[%get3A_545, %get3A_546] {strides = array<i32>} : memref<72x192xbf16, #tpu.memory_space<vmem>>, vector<1x32xbf16>,
        %get3A_548 = vector.shape_cast %get3A_547 : vector<1x32xbf16> to vector<32xbf16>
        %max3A_549 = arith.maximumf %get3A_543, %get3A_548 : vector<32xbf16>
        %get3A_550 = arith.constant 67 : i32
        %get3A_551 = arith.index_cast %get3A_550 : i32 to index
        %get3A_552 = arith.index_cast %mul3A_117 : i32 to index
        %get3A_553 = tpu.vector_load %arg6[%get3A_551, %get3A_552] {strides = array<i32>} : memref<72x192xbf16, #tpu.memory_space<vmem>>, vector<1x32xbf16>,
        %get3A_554 = vector.shape_cast %get3A_553 : vector<1x32xbf16> to vector<32xbf16>
        %get3A_555 = arith.constant 68 : i32
        %get3A_556 = arith.index_cast %get3A_555 : i32 to index
        %get3A_557 = arith.index_cast %mul3A_117 : i32 to index
        %get3A_558 = tpu.vector_load %arg6[%get3A_556, %get3A_557] {strides = array<i32>} : memref<72x192xbf16, #tpu.memory_space<vmem>>, vector<1x32xbf16>,
        %get3A_559 = vector.shape_cast %get3A_558 : vector<1x32xbf16> to vector<32xbf16>
        %max3A_560 = arith.maximumf %get3A_554, %get3A_559 : vector<32xbf16>
        %get3A_561 = arith.constant 69 : i32
        %get3A_562 = arith.index_cast %get3A_561 : i32 to index
        %get3A_563 = arith.index_cast %mul3A_117 : i32 to index
        %get3A_564 = tpu.vector_load %arg6[%get3A_562, %get3A_563] {strides = array<i32>} : memref<72x192xbf16, #tpu.memory_space<vmem>>, vector<1x32xbf16>,
        %get3A_565 = vector.shape_cast %get3A_564 : vector<1x32xbf16> to vector<32xbf16>
        %get3A_566 = arith.constant 70 : i32
        %get3A_567 = arith.index_cast %get3A_566 : i32 to index
        %get3A_568 = arith.index_cast %mul3A_117 : i32 to index
        %get3A_569 = tpu.vector_load %arg6[%get3A_567, %get3A_568] {strides = array<i32>} : memref<72x192xbf16, #tpu.memory_space<vmem>>, vector<1x32xbf16>,
        %get3A_570 = vector.shape_cast %get3A_569 : vector<1x32xbf16> to vector<32xbf16>
        %max3A_571 = arith.maximumf %get3A_565, %get3A_570 : vector<32xbf16>
        %max3A_572 = arith.maximumf %max3A_538, %max3A_549 : vector<32xbf16>
        %max3A_573 = arith.maximumf %max3A_560, %max3A_571 : vector<32xbf16>
        %max3A_574 = arith.maximumf %max3A_572, %max3A_573 : vector<32xbf16>
        %get3A_575 = arith.constant 71 : i32
        %get3A_576 = arith.index_cast %get3A_575 : i32 to index
        %get3A_577 = arith.index_cast %mul3A_117 : i32 to index
        %get3A_578 = tpu.vector_load %arg6[%get3A_576, %get3A_577] {strides = array<i32>} : memref<72x192xbf16, #tpu.memory_space<vmem>>, vector<1x32xbf16>,
        %get3A_579 = vector.shape_cast %get3A_578 : vector<1x32xbf16> to vector<32xbf16>
        %max3A_580 = arith.maximumf %max3A_574, %get3A_579 : vector<32xbf16>
        %swap3A_581 = arith.constant 7 : i32
        %swap3A_582 = arith.index_cast %swap3A_581 : i32 to index
        %swap3A_583 = arith.index_cast %mul3A_117 : i32 to index
        %swap3A_584 = tpu.vector_load %arg8[%swap3A_582, %swap3A_583] {strides = array<i32>} : memref<8x192xbf16, #tpu.memory_space<vmem>>, vector<1x32xbf16>,
        %swap3A_585 = vector.shape_cast %swap3A_584 : vector<1x32xbf16> to vector<32xbf16>
        %swap3A_586 = vector.shape_cast %max3A_580 : vector<32xbf16> to vector<1x32xbf16>
        tpu.vector_store %arg8[%swap3A_582, %swap3A_583], %swap3A_586 {strides = array<i32>} : memref<8x192xbf16, #tpu.memory_space<vmem>>, vector<1x32xbf16>,
      }
      %scan3A_67 = arith.constant 6 : i32
      %mul3A_68 = arith.constant 8 : i32
      %mul3A_69 = arith.muli %add3A_54, %mul3A_68 : i32
      %add3A_70 = arith.addi %mul3A_2, %mul3A_69 : i32
      %dma_start3A_71 = arith.constant 0 : i32
      %dma_start3A_72 = tpu.memref_slice %arg4[%add3A_70, %dma_start3A_71] : memref<16384x192xbf16, #tpu.memory_space<hbm>> -> memref<8x192xbf16, #tpu.memory_space<hbm>>
      %dma_start3A_73 = arith.constant 0 : i32
      %dma_start3A_74 = tpu.memref_slice %arg4[%add3A_70, %dma_start3A_73] : memref<16384x192xbf16, #tpu.memory_space<hbm>> -> memref<8x192xbf16, #tpu.memory_space<hbm>>
      tpu.enqueue_dma source(%arg8 : memref<8x192xbf16, #tpu.memory_space<vmem>>) target(%dma_start3A_74 : memref<8x192xbf16, #tpu.memory_space<hbm>>) target_semaphore(%arg12 : memref<!tpu.dma_semaphore, #tpu.memory_space<semaphore_mem>>)
      %add3A_75 = arith.constant 2 : i32
      %add3A_76 = arith.addi %add3A_54, %add3A_75 : i32
      %lt3A = arith.constant 64 : i32
      %lt3A_77 = arith.cmpi slt, %add3A_76, %lt3A : i32
      %convert_element_type3A_78 = arith.extui %lt3A_77 : i1 to i32
      %cond3A_79 = arith.constant 0 : i32
      %cond3A_80 = arith.cmpi ne, %convert_element_type3A_78, %cond3A_79 : i32
      scf.if %cond3A_80 {
        %add3A_115 = arith.constant 2 : i32
        %add3A_116 = arith.addi %add3A_54, %add3A_115 : i32
        %mul3A_117 = arith.constant 72 : i32
        %mul3A_118 = arith.muli %add3A_116, %mul3A_117 : i32
        %dma_start3A_119 = tpu.memref_slice %arg5[%mul3A_118] : memref<4608xi32, #tpu.memory_space<vmem>> -> memref<72xi32, #tpu.memory_space<vmem>>
        %dma_start3A_120 = arith.constant 0 : i32
        %dma_start3A_121 = arith.constant 0 : i32
        %dma_start3A_122 = tpu.memref_slice %arg2[%dma_start3A_120, %dma_start3A_121] : memref<16384x192xbf16, #tpu.memory_space<hbm>> -> memref<16384x192xbf16, #tpu.memory_space<hbm>>
        tpu.enqueue_indirect_dma source(%dma_start3A_122 : memref<16384x192xbf16, #tpu.memory_space<hbm>>) target(%arg6 : memref<72x192xbf16, #tpu.memory_space<vmem>>) offsets(%dma_start3A_119 : memref<72xi32, #tpu.memory_space<vmem>>) semaphore(%arg10 : memref<!tpu.dma_semaphore, #tpu.memory_space<semaphore_mem>>)
      } else {
      }
      %mul3A_81 = arith.constant 2 : i32
      %mul3A_82 = arith.muli %mul3A_81, %scan3A_50 : i32
      %add3A_83 = arith.constant 1 : i32
      %add3A_84 = arith.addi %mul3A_82, %add3A_83 : i32
      %dma_wait3A_85 = arith.constant 0 : i32
      %dma_wait3A_86 = tpu.memref_slice %arg5[%dma_wait3A_85] : memref<4608xi32, #tpu.memory_space<vmem>> -> memref<72xi32, #tpu.memory_space<vmem>>
      %dma_wait3A_87 = arith.constant 0 : i32
      %dma_wait3A_88 = arith.constant 0 : i32
      %dma_wait3A_89 = tpu.memref_slice %arg2[%dma_wait3A_87, %dma_wait3A_88] : memref<16384x192xbf16, #tpu.memory_space<hbm>> -> memref<16384x192xbf16, #tpu.memory_space<hbm>>
      tpu.wait_indirect_dma semaphore(%arg11 : memref<!tpu.dma_semaphore, #tpu.memory_space<semaphore_mem>>) src(%dma_wait3A_89 : memref<16384x192xbf16, #tpu.memory_space<hbm>>) dst(%arg7 : memref<72x192xbf16, #tpu.memory_space<vmem>>)
      %gt3A_90 = arith.constant 0 : i32
      %gt3A_91 = arith.cmpi sgt, %scan3A_50, %gt3A_90 : i32
      %convert_element_type3A_92 = arith.extui %gt3A_91 : i1 to i32
      %cond3A_93 = arith.constant 0 : i32
      %cond3A_94 = arith.cmpi ne, %convert_element_type3A_92, %cond3A_93 : i32
      scf.if %cond3A_94 {
        %dma_wait3A_115 = arith.constant 0 : i32
        %dma_wait3A_116 = tpu.memref_slice %arg4[%mul3A_2, %dma_wait3A_115] : memref<16384x192xbf16, #tpu.memory_space<hbm>> -> memref<8x192xbf16, #tpu.memory_space<hbm>>
        %dma_wait3A_117 = arith.constant 0 : i32
        %dma_wait3A_118 = tpu.memref_slice %arg4[%mul3A_2, %dma_wait3A_117] : memref<16384x192xbf16, #tpu.memory_space<hbm>> -> memref<8x192xbf16, #tpu.memory_space<hbm>>
        tpu.wait_dma2 semaphore(%arg13 : memref<!tpu.dma_semaphore, #tpu.memory_space<semaphore_mem>>) src(%arg9 : memref<8x192xbf16, #tpu.memory_space<vmem>>) dst(%dma_wait3A_118 : memref<8x192xbf16, #tpu.memory_space<hbm>>)
      } else {
      }
      %scan3A_95 = arith.constant 0 : i32
      %scan3A_96 = arith.constant 0 : i32
      %scan3A_97 = arith.constant 6 : i32
      %scan3A_98 = arith.addi %scan3A_96, %scan3A_97 : i32
      %scan3A_99 = arith.constant 1 : i32
      scf.for %scan3A_115 = %scan3A_96 to %scan3A_98 step %scan3A_99  : i32 {
        %mul3A_116 = arith.constant 32 : i32
        %mul3A_117 = arith.muli %scan3A_115, %mul3A_116 : i32
        %get3A = arith.constant 0 : i32
        %get3A_118 = arith.index_cast %get3A : i32 to index
        %get3A_119 = arith.index_cast %mul3A_117 : i32 to index
        %get3A_120 = tpu.vector_load %arg7[%get3A_118, %get3A_119] {strides = array<i32>} : memref<72x192xbf16, #tpu.memory_space<vmem>>, vector<1x32xbf16>,
        %get3A_121 = vector.shape_cast %get3A_120 : vector<1x32xbf16> to vector<32xbf16>
        %get3A_122 = arith.constant 1 : i32
        %get3A_123 = arith.index_cast %get3A_122 : i32 to index
        %get3A_124 = arith.index_cast %mul3A_117 : i32 to index
        %get3A_125 = tpu.vector_load %arg7[%get3A_123, %get3A_124] {strides = array<i32>} : memref<72x192xbf16, #tpu.memory_space<vmem>>, vector<1x32xbf16>,
        %get3A_126 = vector.shape_cast %get3A_125 : vector<1x32xbf16> to vector<32xbf16>
        %max3A = arith.maximumf %get3A_121, %get3A_126 : vector<32xbf16>
        %get3A_127 = arith.constant 2 : i32
        %get3A_128 = arith.index_cast %get3A_127 : i32 to index
        %get3A_129 = arith.index_cast %mul3A_117 : i32 to index
        %get3A_130 = tpu.vector_load %arg7[%get3A_128, %get3A_129] {strides = array<i32>} : memref<72x192xbf16, #tpu.memory_space<vmem>>, vector<1x32xbf16>,
        %get3A_131 = vector.shape_cast %get3A_130 : vector<1x32xbf16> to vector<32xbf16>
        %get3A_132 = arith.constant 3 : i32
        %get3A_133 = arith.index_cast %get3A_132 : i32 to index
        %get3A_134 = arith.index_cast %mul3A_117 : i32 to index
        %get3A_135 = tpu.vector_load %arg7[%get3A_133, %get3A_134] {strides = array<i32>} : memref<72x192xbf16, #tpu.memory_space<vmem>>, vector<1x32xbf16>,
        %get3A_136 = vector.shape_cast %get3A_135 : vector<1x32xbf16> to vector<32xbf16>
        %max3A_137 = arith.maximumf %get3A_131, %get3A_136 : vector<32xbf16>
        %get3A_138 = arith.constant 4 : i32
        %get3A_139 = arith.index_cast %get3A_138 : i32 to index
        %get3A_140 = arith.index_cast %mul3A_117 : i32 to index
        %get3A_141 = tpu.vector_load %arg7[%get3A_139, %get3A_140] {strides = array<i32>} : memref<72x192xbf16, #tpu.memory_space<vmem>>, vector<1x32xbf16>,
        %get3A_142 = vector.shape_cast %get3A_141 : vector<1x32xbf16> to vector<32xbf16>
        %get3A_143 = arith.constant 5 : i32
        %get3A_144 = arith.index_cast %get3A_143 : i32 to index
        %get3A_145 = arith.index_cast %mul3A_117 : i32 to index
        %get3A_146 = tpu.vector_load %arg7[%get3A_144, %get3A_145] {strides = array<i32>} : memref<72x192xbf16, #tpu.memory_space<vmem>>, vector<1x32xbf16>,
        %get3A_147 = vector.shape_cast %get3A_146 : vector<1x32xbf16> to vector<32xbf16>
        %max3A_148 = arith.maximumf %get3A_142, %get3A_147 : vector<32xbf16>
        %get3A_149 = arith.constant 6 : i32
        %get3A_150 = arith.index_cast %get3A_149 : i32 to index
        %get3A_151 = arith.index_cast %mul3A_117 : i32 to index
        %get3A_152 = tpu.vector_load %arg7[%get3A_150, %get3A_151] {strides = array<i32>} : memref<72x192xbf16, #tpu.memory_space<vmem>>, vector<1x32xbf16>,
        %get3A_153 = vector.shape_cast %get3A_152 : vector<1x32xbf16> to vector<32xbf16>
        %get3A_154 = arith.constant 7 : i32
        %get3A_155 = arith.index_cast %get3A_154 : i32 to index
        %get3A_156 = arith.index_cast %mul3A_117 : i32 to index
        %get3A_157 = tpu.vector_load %arg7[%get3A_155, %get3A_156] {strides = array<i32>} : memref<72x192xbf16, #tpu.memory_space<vmem>>, vector<1x32xbf16>,
        %get3A_158 = vector.shape_cast %get3A_157 : vector<1x32xbf16> to vector<32xbf16>
        %max3A_159 = arith.maximumf %get3A_153, %get3A_158 : vector<32xbf16>
        %max3A_160 = arith.maximumf %max3A, %max3A_137 : vector<32xbf16>
        %max3A_161 = arith.maximumf %max3A_148, %max3A_159 : vector<32xbf16>
        %max3A_162 = arith.maximumf %max3A_160, %max3A_161 : vector<32xbf16>
        %get3A_163 = arith.constant 8 : i32
        %get3A_164 = arith.index_cast %get3A_163 : i32 to index
        %get3A_165 = arith.index_cast %mul3A_117 : i32 to index
        %get3A_166 = tpu.vector_load %arg7[%get3A_164, %get3A_165] {strides = array<i32>} : memref<72x192xbf16, #tpu.memory_space<vmem>>, vector<1x32xbf16>,
        %get3A_167 = vector.shape_cast %get3A_166 : vector<1x32xbf16> to vector<32xbf16>
        %max3A_168 = arith.maximumf %max3A_162, %get3A_167 : vector<32xbf16>
        %swap3A = arith.constant 0 : i32
        %swap3A_169 = arith.index_cast %swap3A : i32 to index
        %swap3A_170 = arith.index_cast %mul3A_117 : i32 to index
        %swap3A_171 = tpu.vector_load %arg9[%swap3A_169, %swap3A_170] {strides = array<i32>} : memref<8x192xbf16, #tpu.memory_space<vmem>>, vector<1x32xbf16>,
        %swap3A_172 = vector.shape_cast %swap3A_171 : vector<1x32xbf16> to vector<32xbf16>
        %swap3A_173 = vector.shape_cast %max3A_168 : vector<32xbf16> to vector<1x32xbf16>
        tpu.vector_store %arg9[%swap3A_169, %swap3A_170], %swap3A_173 {strides = array<i32>} : memref<8x192xbf16, #tpu.memory_space<vmem>>, vector<1x32xbf16>,
        %get3A_174 = arith.constant 9 : i32
        %get3A_175 = arith.index_cast %get3A_174 : i32 to index
        %get3A_176 = arith.index_cast %mul3A_117 : i32 to index
        %get3A_177 = tpu.vector_load %arg7[%get3A_175, %get3A_176] {strides = array<i32>} : memref<72x192xbf16, #tpu.memory_space<vmem>>, vector<1x32xbf16>,
        %get3A_178 = vector.shape_cast %get3A_177 : vector<1x32xbf16> to vector<32xbf16>
        %get3A_179 = arith.constant 10 : i32
        %get3A_180 = arith.index_cast %get3A_179 : i32 to index
        %get3A_181 = arith.index_cast %mul3A_117 : i32 to index
        %get3A_182 = tpu.vector_load %arg7[%get3A_180, %get3A_181] {strides = array<i32>} : memref<72x192xbf16, #tpu.memory_space<vmem>>, vector<1x32xbf16>,
        %get3A_183 = vector.shape_cast %get3A_182 : vector<1x32xbf16> to vector<32xbf16>
        %max3A_184 = arith.maximumf %get3A_178, %get3A_183 : vector<32xbf16>
        %get3A_185 = arith.constant 11 : i32
        %get3A_186 = arith.index_cast %get3A_185 : i32 to index
        %get3A_187 = arith.index_cast %mul3A_117 : i32 to index
        %get3A_188 = tpu.vector_load %arg7[%get3A_186, %get3A_187] {strides = array<i32>} : memref<72x192xbf16, #tpu.memory_space<vmem>>, vector<1x32xbf16>,
        %get3A_189 = vector.shape_cast %get3A_188 : vector<1x32xbf16> to vector<32xbf16>
        %get3A_190 = arith.constant 12 : i32
        %get3A_191 = arith.index_cast %get3A_190 : i32 to index
        %get3A_192 = arith.index_cast %mul3A_117 : i32 to index
        %get3A_193 = tpu.vector_load %arg7[%get3A_191, %get3A_192] {strides = array<i32>} : memref<72x192xbf16, #tpu.memory_space<vmem>>, vector<1x32xbf16>,
        %get3A_194 = vector.shape_cast %get3A_193 : vector<1x32xbf16> to vector<32xbf16>
        %max3A_195 = arith.maximumf %get3A_189, %get3A_194 : vector<32xbf16>
        %get3A_196 = arith.constant 13 : i32
        %get3A_197 = arith.index_cast %get3A_196 : i32 to index
        %get3A_198 = arith.index_cast %mul3A_117 : i32 to index
        %get3A_199 = tpu.vector_load %arg7[%get3A_197, %get3A_198] {strides = array<i32>} : memref<72x192xbf16, #tpu.memory_space<vmem>>, vector<1x32xbf16>,
        %get3A_200 = vector.shape_cast %get3A_199 : vector<1x32xbf16> to vector<32xbf16>
        %get3A_201 = arith.constant 14 : i32
        %get3A_202 = arith.index_cast %get3A_201 : i32 to index
        %get3A_203 = arith.index_cast %mul3A_117 : i32 to index
        %get3A_204 = tpu.vector_load %arg7[%get3A_202, %get3A_203] {strides = array<i32>} : memref<72x192xbf16, #tpu.memory_space<vmem>>, vector<1x32xbf16>,
        %get3A_205 = vector.shape_cast %get3A_204 : vector<1x32xbf16> to vector<32xbf16>
        %max3A_206 = arith.maximumf %get3A_200, %get3A_205 : vector<32xbf16>
        %get3A_207 = arith.constant 15 : i32
        %get3A_208 = arith.index_cast %get3A_207 : i32 to index
        %get3A_209 = arith.index_cast %mul3A_117 : i32 to index
        %get3A_210 = tpu.vector_load %arg7[%get3A_208, %get3A_209] {strides = array<i32>} : memref<72x192xbf16, #tpu.memory_space<vmem>>, vector<1x32xbf16>,
        %get3A_211 = vector.shape_cast %get3A_210 : vector<1x32xbf16> to vector<32xbf16>
        %get3A_212 = arith.constant 16 : i32
        %get3A_213 = arith.index_cast %get3A_212 : i32 to index
        %get3A_214 = arith.index_cast %mul3A_117 : i32 to index
        %get3A_215 = tpu.vector_load %arg7[%get3A_213, %get3A_214] {strides = array<i32>} : memref<72x192xbf16, #tpu.memory_space<vmem>>, vector<1x32xbf16>,
        %get3A_216 = vector.shape_cast %get3A_215 : vector<1x32xbf16> to vector<32xbf16>
        %max3A_217 = arith.maximumf %get3A_211, %get3A_216 : vector<32xbf16>
        %max3A_218 = arith.maximumf %max3A_184, %max3A_195 : vector<32xbf16>
        %max3A_219 = arith.maximumf %max3A_206, %max3A_217 : vector<32xbf16>
        %max3A_220 = arith.maximumf %max3A_218, %max3A_219 : vector<32xbf16>
        %get3A_221 = arith.constant 17 : i32
        %get3A_222 = arith.index_cast %get3A_221 : i32 to index
        %get3A_223 = arith.index_cast %mul3A_117 : i32 to index
        %get3A_224 = tpu.vector_load %arg7[%get3A_222, %get3A_223] {strides = array<i32>} : memref<72x192xbf16, #tpu.memory_space<vmem>>, vector<1x32xbf16>,
        %get3A_225 = vector.shape_cast %get3A_224 : vector<1x32xbf16> to vector<32xbf16>
        %max3A_226 = arith.maximumf %max3A_220, %get3A_225 : vector<32xbf16>
        %swap3A_227 = arith.constant 1 : i32
        %swap3A_228 = arith.index_cast %swap3A_227 : i32 to index
        %swap3A_229 = arith.index_cast %mul3A_117 : i32 to index
        %swap3A_230 = tpu.vector_load %arg9[%swap3A_228, %swap3A_229] {strides = array<i32>} : memref<8x192xbf16, #tpu.memory_space<vmem>>, vector<1x32xbf16>,
        %swap3A_231 = vector.shape_cast %swap3A_230 : vector<1x32xbf16> to vector<32xbf16>
        %swap3A_232 = vector.shape_cast %max3A_226 : vector<32xbf16> to vector<1x32xbf16>
        tpu.vector_store %arg9[%swap3A_228, %swap3A_229], %swap3A_232 {strides = array<i32>} : memref<8x192xbf16, #tpu.memory_space<vmem>>, vector<1x32xbf16>,
        %get3A_233 = arith.constant 18 : i32
        %get3A_234 = arith.index_cast %get3A_233 : i32 to index
        %get3A_235 = arith.index_cast %mul3A_117 : i32 to index
        %get3A_236 = tpu.vector_load %arg7[%get3A_234, %get3A_235] {strides = array<i32>} : memref<72x192xbf16, #tpu.memory_space<vmem>>, vector<1x32xbf16>,
        %get3A_237 = vector.shape_cast %get3A_236 : vector<1x32xbf16> to vector<32xbf16>
        %get3A_238 = arith.constant 19 : i32
        %get3A_239 = arith.index_cast %get3A_238 : i32 to index
        %get3A_240 = arith.index_cast %mul3A_117 : i32 to index
        %get3A_241 = tpu.vector_load %arg7[%get3A_239, %get3A_240] {strides = array<i32>} : memref<72x192xbf16, #tpu.memory_space<vmem>>, vector<1x32xbf16>,
        %get3A_242 = vector.shape_cast %get3A_241 : vector<1x32xbf16> to vector<32xbf16>
        %max3A_243 = arith.maximumf %get3A_237, %get3A_242 : vector<32xbf16>
        %get3A_244 = arith.constant 20 : i32
        %get3A_245 = arith.index_cast %get3A_244 : i32 to index
        %get3A_246 = arith.index_cast %mul3A_117 : i32 to index
        %get3A_247 = tpu.vector_load %arg7[%get3A_245, %get3A_246] {strides = array<i32>} : memref<72x192xbf16, #tpu.memory_space<vmem>>, vector<1x32xbf16>,
        %get3A_248 = vector.shape_cast %get3A_247 : vector<1x32xbf16> to vector<32xbf16>
        %get3A_249 = arith.constant 21 : i32
        %get3A_250 = arith.index_cast %get3A_249 : i32 to index
        %get3A_251 = arith.index_cast %mul3A_117 : i32 to index
        %get3A_252 = tpu.vector_load %arg7[%get3A_250, %get3A_251] {strides = array<i32>} : memref<72x192xbf16, #tpu.memory_space<vmem>>, vector<1x32xbf16>,
        %get3A_253 = vector.shape_cast %get3A_252 : vector<1x32xbf16> to vector<32xbf16>
        %max3A_254 = arith.maximumf %get3A_248, %get3A_253 : vector<32xbf16>
        %get3A_255 = arith.constant 22 : i32
        %get3A_256 = arith.index_cast %get3A_255 : i32 to index
        %get3A_257 = arith.index_cast %mul3A_117 : i32 to index
        %get3A_258 = tpu.vector_load %arg7[%get3A_256, %get3A_257] {strides = array<i32>} : memref<72x192xbf16, #tpu.memory_space<vmem>>, vector<1x32xbf16>,
        %get3A_259 = vector.shape_cast %get3A_258 : vector<1x32xbf16> to vector<32xbf16>
        %get3A_260 = arith.constant 23 : i32
        %get3A_261 = arith.index_cast %get3A_260 : i32 to index
        %get3A_262 = arith.index_cast %mul3A_117 : i32 to index
        %get3A_263 = tpu.vector_load %arg7[%get3A_261, %get3A_262] {strides = array<i32>} : memref<72x192xbf16, #tpu.memory_space<vmem>>, vector<1x32xbf16>,
        %get3A_264 = vector.shape_cast %get3A_263 : vector<1x32xbf16> to vector<32xbf16>
        %max3A_265 = arith.maximumf %get3A_259, %get3A_264 : vector<32xbf16>
        %get3A_266 = arith.constant 24 : i32
        %get3A_267 = arith.index_cast %get3A_266 : i32 to index
        %get3A_268 = arith.index_cast %mul3A_117 : i32 to index
        %get3A_269 = tpu.vector_load %arg7[%get3A_267, %get3A_268] {strides = array<i32>} : memref<72x192xbf16, #tpu.memory_space<vmem>>, vector<1x32xbf16>,
        %get3A_270 = vector.shape_cast %get3A_269 : vector<1x32xbf16> to vector<32xbf16>
        %get3A_271 = arith.constant 25 : i32
        %get3A_272 = arith.index_cast %get3A_271 : i32 to index
        %get3A_273 = arith.index_cast %mul3A_117 : i32 to index
        %get3A_274 = tpu.vector_load %arg7[%get3A_272, %get3A_273] {strides = array<i32>} : memref<72x192xbf16, #tpu.memory_space<vmem>>, vector<1x32xbf16>,
        %get3A_275 = vector.shape_cast %get3A_274 : vector<1x32xbf16> to vector<32xbf16>
        %max3A_276 = arith.maximumf %get3A_270, %get3A_275 : vector<32xbf16>
        %max3A_277 = arith.maximumf %max3A_243, %max3A_254 : vector<32xbf16>
        %max3A_278 = arith.maximumf %max3A_265, %max3A_276 : vector<32xbf16>
        %max3A_279 = arith.maximumf %max3A_277, %max3A_278 : vector<32xbf16>
        %get3A_280 = arith.constant 26 : i32
        %get3A_281 = arith.index_cast %get3A_280 : i32 to index
        %get3A_282 = arith.index_cast %mul3A_117 : i32 to index
        %get3A_283 = tpu.vector_load %arg7[%get3A_281, %get3A_282] {strides = array<i32>} : memref<72x192xbf16, #tpu.memory_space<vmem>>, vector<1x32xbf16>,
        %get3A_284 = vector.shape_cast %get3A_283 : vector<1x32xbf16> to vector<32xbf16>
        %max3A_285 = arith.maximumf %max3A_279, %get3A_284 : vector<32xbf16>
        %swap3A_286 = arith.constant 2 : i32
        %swap3A_287 = arith.index_cast %swap3A_286 : i32 to index
        %swap3A_288 = arith.index_cast %mul3A_117 : i32 to index
        %swap3A_289 = tpu.vector_load %arg9[%swap3A_287, %swap3A_288] {strides = array<i32>} : memref<8x192xbf16, #tpu.memory_space<vmem>>, vector<1x32xbf16>,
        %swap3A_290 = vector.shape_cast %swap3A_289 : vector<1x32xbf16> to vector<32xbf16>
        %swap3A_291 = vector.shape_cast %max3A_285 : vector<32xbf16> to vector<1x32xbf16>
        tpu.vector_store %arg9[%swap3A_287, %swap3A_288], %swap3A_291 {strides = array<i32>} : memref<8x192xbf16, #tpu.memory_space<vmem>>, vector<1x32xbf16>,
        %get3A_292 = arith.constant 27 : i32
        %get3A_293 = arith.index_cast %get3A_292 : i32 to index
        %get3A_294 = arith.index_cast %mul3A_117 : i32 to index
        %get3A_295 = tpu.vector_load %arg7[%get3A_293, %get3A_294] {strides = array<i32>} : memref<72x192xbf16, #tpu.memory_space<vmem>>, vector<1x32xbf16>,
        %get3A_296 = vector.shape_cast %get3A_295 : vector<1x32xbf16> to vector<32xbf16>
        %get3A_297 = arith.constant 28 : i32
        %get3A_298 = arith.index_cast %get3A_297 : i32 to index
        %get3A_299 = arith.index_cast %mul3A_117 : i32 to index
        %get3A_300 = tpu.vector_load %arg7[%get3A_298, %get3A_299] {strides = array<i32>} : memref<72x192xbf16, #tpu.memory_space<vmem>>, vector<1x32xbf16>,
        %get3A_301 = vector.shape_cast %get3A_300 : vector<1x32xbf16> to vector<32xbf16>
        %max3A_302 = arith.maximumf %get3A_296, %get3A_301 : vector<32xbf16>
        %get3A_303 = arith.constant 29 : i32
        %get3A_304 = arith.index_cast %get3A_303 : i32 to index
        %get3A_305 = arith.index_cast %mul3A_117 : i32 to index
        %get3A_306 = tpu.vector_load %arg7[%get3A_304, %get3A_305] {strides = array<i32>} : memref<72x192xbf16, #tpu.memory_space<vmem>>, vector<1x32xbf16>,
        %get3A_307 = vector.shape_cast %get3A_306 : vector<1x32xbf16> to vector<32xbf16>
        %get3A_308 = arith.constant 30 : i32
        %get3A_309 = arith.index_cast %get3A_308 : i32 to index
        %get3A_310 = arith.index_cast %mul3A_117 : i32 to index
        %get3A_311 = tpu.vector_load %arg7[%get3A_309, %get3A_310] {strides = array<i32>} : memref<72x192xbf16, #tpu.memory_space<vmem>>, vector<1x32xbf16>,
        %get3A_312 = vector.shape_cast %get3A_311 : vector<1x32xbf16> to vector<32xbf16>
        %max3A_313 = arith.maximumf %get3A_307, %get3A_312 : vector<32xbf16>
        %get3A_314 = arith.constant 31 : i32
        %get3A_315 = arith.index_cast %get3A_314 : i32 to index
        %get3A_316 = arith.index_cast %mul3A_117 : i32 to index
        %get3A_317 = tpu.vector_load %arg7[%get3A_315, %get3A_316] {strides = array<i32>} : memref<72x192xbf16, #tpu.memory_space<vmem>>, vector<1x32xbf16>,
        %get3A_318 = vector.shape_cast %get3A_317 : vector<1x32xbf16> to vector<32xbf16>
        %get3A_319 = arith.constant 32 : i32
        %get3A_320 = arith.index_cast %get3A_319 : i32 to index
        %get3A_321 = arith.index_cast %mul3A_117 : i32 to index
        %get3A_322 = tpu.vector_load %arg7[%get3A_320, %get3A_321] {strides = array<i32>} : memref<72x192xbf16, #tpu.memory_space<vmem>>, vector<1x32xbf16>,
        %get3A_323 = vector.shape_cast %get3A_322 : vector<1x32xbf16> to vector<32xbf16>
        %max3A_324 = arith.maximumf %get3A_318, %get3A_323 : vector<32xbf16>
        %get3A_325 = arith.constant 33 : i32
        %get3A_326 = arith.index_cast %get3A_325 : i32 to index
        %get3A_327 = arith.index_cast %mul3A_117 : i32 to index
        %get3A_328 = tpu.vector_load %arg7[%get3A_326, %get3A_327] {strides = array<i32>} : memref<72x192xbf16, #tpu.memory_space<vmem>>, vector<1x32xbf16>,
        %get3A_329 = vector.shape_cast %get3A_328 : vector<1x32xbf16> to vector<32xbf16>
        %get3A_330 = arith.constant 34 : i32
        %get3A_331 = arith.index_cast %get3A_330 : i32 to index
        %get3A_332 = arith.index_cast %mul3A_117 : i32 to index
        %get3A_333 = tpu.vector_load %arg7[%get3A_331, %get3A_332] {strides = array<i32>} : memref<72x192xbf16, #tpu.memory_space<vmem>>, vector<1x32xbf16>,
        %get3A_334 = vector.shape_cast %get3A_333 : vector<1x32xbf16> to vector<32xbf16>
        %max3A_335 = arith.maximumf %get3A_329, %get3A_334 : vector<32xbf16>
        %max3A_336 = arith.maximumf %max3A_302, %max3A_313 : vector<32xbf16>
        %max3A_337 = arith.maximumf %max3A_324, %max3A_335 : vector<32xbf16>
        %max3A_338 = arith.maximumf %max3A_336, %max3A_337 : vector<32xbf16>
        %get3A_339 = arith.constant 35 : i32
        %get3A_340 = arith.index_cast %get3A_339 : i32 to index
        %get3A_341 = arith.index_cast %mul3A_117 : i32 to index
        %get3A_342 = tpu.vector_load %arg7[%get3A_340, %get3A_341] {strides = array<i32>} : memref<72x192xbf16, #tpu.memory_space<vmem>>, vector<1x32xbf16>,
        %get3A_343 = vector.shape_cast %get3A_342 : vector<1x32xbf16> to vector<32xbf16>
        %max3A_344 = arith.maximumf %max3A_338, %get3A_343 : vector<32xbf16>
        %swap3A_345 = arith.constant 3 : i32
        %swap3A_346 = arith.index_cast %swap3A_345 : i32 to index
        %swap3A_347 = arith.index_cast %mul3A_117 : i32 to index
        %swap3A_348 = tpu.vector_load %arg9[%swap3A_346, %swap3A_347] {strides = array<i32>} : memref<8x192xbf16, #tpu.memory_space<vmem>>, vector<1x32xbf16>,
        %swap3A_349 = vector.shape_cast %swap3A_348 : vector<1x32xbf16> to vector<32xbf16>
        %swap3A_350 = vector.shape_cast %max3A_344 : vector<32xbf16> to vector<1x32xbf16>
        tpu.vector_store %arg9[%swap3A_346, %swap3A_347], %swap3A_350 {strides = array<i32>} : memref<8x192xbf16, #tpu.memory_space<vmem>>, vector<1x32xbf16>,
        %get3A_351 = arith.constant 36 : i32
        %get3A_352 = arith.index_cast %get3A_351 : i32 to index
        %get3A_353 = arith.index_cast %mul3A_117 : i32 to index
        %get3A_354 = tpu.vector_load %arg7[%get3A_352, %get3A_353] {strides = array<i32>} : memref<72x192xbf16, #tpu.memory_space<vmem>>, vector<1x32xbf16>,
        %get3A_355 = vector.shape_cast %get3A_354 : vector<1x32xbf16> to vector<32xbf16>
        %get3A_356 = arith.constant 37 : i32
        %get3A_357 = arith.index_cast %get3A_356 : i32 to index
        %get3A_358 = arith.index_cast %mul3A_117 : i32 to index
        %get3A_359 = tpu.vector_load %arg7[%get3A_357, %get3A_358] {strides = array<i32>} : memref<72x192xbf16, #tpu.memory_space<vmem>>, vector<1x32xbf16>,
        %get3A_360 = vector.shape_cast %get3A_359 : vector<1x32xbf16> to vector<32xbf16>
        %max3A_361 = arith.maximumf %get3A_355, %get3A_360 : vector<32xbf16>
        %get3A_362 = arith.constant 38 : i32
        %get3A_363 = arith.index_cast %get3A_362 : i32 to index
        %get3A_364 = arith.index_cast %mul3A_117 : i32 to index
        %get3A_365 = tpu.vector_load %arg7[%get3A_363, %get3A_364] {strides = array<i32>} : memref<72x192xbf16, #tpu.memory_space<vmem>>, vector<1x32xbf16>,
        %get3A_366 = vector.shape_cast %get3A_365 : vector<1x32xbf16> to vector<32xbf16>
        %get3A_367 = arith.constant 39 : i32
        %get3A_368 = arith.index_cast %get3A_367 : i32 to index
        %get3A_369 = arith.index_cast %mul3A_117 : i32 to index
        %get3A_370 = tpu.vector_load %arg7[%get3A_368, %get3A_369] {strides = array<i32>} : memref<72x192xbf16, #tpu.memory_space<vmem>>, vector<1x32xbf16>,
        %get3A_371 = vector.shape_cast %get3A_370 : vector<1x32xbf16> to vector<32xbf16>
        %max3A_372 = arith.maximumf %get3A_366, %get3A_371 : vector<32xbf16>
        %get3A_373 = arith.constant 40 : i32
        %get3A_374 = arith.index_cast %get3A_373 : i32 to index
        %get3A_375 = arith.index_cast %mul3A_117 : i32 to index
        %get3A_376 = tpu.vector_load %arg7[%get3A_374, %get3A_375] {strides = array<i32>} : memref<72x192xbf16, #tpu.memory_space<vmem>>, vector<1x32xbf16>,
        %get3A_377 = vector.shape_cast %get3A_376 : vector<1x32xbf16> to vector<32xbf16>
        %get3A_378 = arith.constant 41 : i32
        %get3A_379 = arith.index_cast %get3A_378 : i32 to index
        %get3A_380 = arith.index_cast %mul3A_117 : i32 to index
        %get3A_381 = tpu.vector_load %arg7[%get3A_379, %get3A_380] {strides = array<i32>} : memref<72x192xbf16, #tpu.memory_space<vmem>>, vector<1x32xbf16>,
        %get3A_382 = vector.shape_cast %get3A_381 : vector<1x32xbf16> to vector<32xbf16>
        %max3A_383 = arith.maximumf %get3A_377, %get3A_382 : vector<32xbf16>
        %get3A_384 = arith.constant 42 : i32
        %get3A_385 = arith.index_cast %get3A_384 : i32 to index
        %get3A_386 = arith.index_cast %mul3A_117 : i32 to index
        %get3A_387 = tpu.vector_load %arg7[%get3A_385, %get3A_386] {strides = array<i32>} : memref<72x192xbf16, #tpu.memory_space<vmem>>, vector<1x32xbf16>,
        %get3A_388 = vector.shape_cast %get3A_387 : vector<1x32xbf16> to vector<32xbf16>
        %get3A_389 = arith.constant 43 : i32
        %get3A_390 = arith.index_cast %get3A_389 : i32 to index
        %get3A_391 = arith.index_cast %mul3A_117 : i32 to index
        %get3A_392 = tpu.vector_load %arg7[%get3A_390, %get3A_391] {strides = array<i32>} : memref<72x192xbf16, #tpu.memory_space<vmem>>, vector<1x32xbf16>,
        %get3A_393 = vector.shape_cast %get3A_392 : vector<1x32xbf16> to vector<32xbf16>
        %max3A_394 = arith.maximumf %get3A_388, %get3A_393 : vector<32xbf16>
        %max3A_395 = arith.maximumf %max3A_361, %max3A_372 : vector<32xbf16>
        %max3A_396 = arith.maximumf %max3A_383, %max3A_394 : vector<32xbf16>
        %max3A_397 = arith.maximumf %max3A_395, %max3A_396 : vector<32xbf16>
        %get3A_398 = arith.constant 44 : i32
        %get3A_399 = arith.index_cast %get3A_398 : i32 to index
        %get3A_400 = arith.index_cast %mul3A_117 : i32 to index
        %get3A_401 = tpu.vector_load %arg7[%get3A_399, %get3A_400] {strides = array<i32>} : memref<72x192xbf16, #tpu.memory_space<vmem>>, vector<1x32xbf16>,
        %get3A_402 = vector.shape_cast %get3A_401 : vector<1x32xbf16> to vector<32xbf16>
        %max3A_403 = arith.maximumf %max3A_397, %get3A_402 : vector<32xbf16>
        %swap3A_404 = arith.constant 4 : i32
        %swap3A_405 = arith.index_cast %swap3A_404 : i32 to index
        %swap3A_406 = arith.index_cast %mul3A_117 : i32 to index
        %swap3A_407 = tpu.vector_load %arg9[%swap3A_405, %swap3A_406] {strides = array<i32>} : memref<8x192xbf16, #tpu.memory_space<vmem>>, vector<1x32xbf16>,
        %swap3A_408 = vector.shape_cast %swap3A_407 : vector<1x32xbf16> to vector<32xbf16>
        %swap3A_409 = vector.shape_cast %max3A_403 : vector<32xbf16> to vector<1x32xbf16>
        tpu.vector_store %arg9[%swap3A_405, %swap3A_406], %swap3A_409 {strides = array<i32>} : memref<8x192xbf16, #tpu.memory_space<vmem>>, vector<1x32xbf16>,
        %get3A_410 = arith.constant 45 : i32
        %get3A_411 = arith.index_cast %get3A_410 : i32 to index
        %get3A_412 = arith.index_cast %mul3A_117 : i32 to index
        %get3A_413 = tpu.vector_load %arg7[%get3A_411, %get3A_412] {strides = array<i32>} : memref<72x192xbf16, #tpu.memory_space<vmem>>, vector<1x32xbf16>,
        %get3A_414 = vector.shape_cast %get3A_413 : vector<1x32xbf16> to vector<32xbf16>
        %get3A_415 = arith.constant 46 : i32
        %get3A_416 = arith.index_cast %get3A_415 : i32 to index
        %get3A_417 = arith.index_cast %mul3A_117 : i32 to index
        %get3A_418 = tpu.vector_load %arg7[%get3A_416, %get3A_417] {strides = array<i32>} : memref<72x192xbf16, #tpu.memory_space<vmem>>, vector<1x32xbf16>,
        %get3A_419 = vector.shape_cast %get3A_418 : vector<1x32xbf16> to vector<32xbf16>
        %max3A_420 = arith.maximumf %get3A_414, %get3A_419 : vector<32xbf16>
        %get3A_421 = arith.constant 47 : i32
        %get3A_422 = arith.index_cast %get3A_421 : i32 to index
        %get3A_423 = arith.index_cast %mul3A_117 : i32 to index
        %get3A_424 = tpu.vector_load %arg7[%get3A_422, %get3A_423] {strides = array<i32>} : memref<72x192xbf16, #tpu.memory_space<vmem>>, vector<1x32xbf16>,
        %get3A_425 = vector.shape_cast %get3A_424 : vector<1x32xbf16> to vector<32xbf16>
        %get3A_426 = arith.constant 48 : i32
        %get3A_427 = arith.index_cast %get3A_426 : i32 to index
        %get3A_428 = arith.index_cast %mul3A_117 : i32 to index
        %get3A_429 = tpu.vector_load %arg7[%get3A_427, %get3A_428] {strides = array<i32>} : memref<72x192xbf16, #tpu.memory_space<vmem>>, vector<1x32xbf16>,
        %get3A_430 = vector.shape_cast %get3A_429 : vector<1x32xbf16> to vector<32xbf16>
        %max3A_431 = arith.maximumf %get3A_425, %get3A_430 : vector<32xbf16>
        %get3A_432 = arith.constant 49 : i32
        %get3A_433 = arith.index_cast %get3A_432 : i32 to index
        %get3A_434 = arith.index_cast %mul3A_117 : i32 to index
        %get3A_435 = tpu.vector_load %arg7[%get3A_433, %get3A_434] {strides = array<i32>} : memref<72x192xbf16, #tpu.memory_space<vmem>>, vector<1x32xbf16>,
        %get3A_436 = vector.shape_cast %get3A_435 : vector<1x32xbf16> to vector<32xbf16>
        %get3A_437 = arith.constant 50 : i32
        %get3A_438 = arith.index_cast %get3A_437 : i32 to index
        %get3A_439 = arith.index_cast %mul3A_117 : i32 to index
        %get3A_440 = tpu.vector_load %arg7[%get3A_438, %get3A_439] {strides = array<i32>} : memref<72x192xbf16, #tpu.memory_space<vmem>>, vector<1x32xbf16>,
        %get3A_441 = vector.shape_cast %get3A_440 : vector<1x32xbf16> to vector<32xbf16>
        %max3A_442 = arith.maximumf %get3A_436, %get3A_441 : vector<32xbf16>
        %get3A_443 = arith.constant 51 : i32
        %get3A_444 = arith.index_cast %get3A_443 : i32 to index
        %get3A_445 = arith.index_cast %mul3A_117 : i32 to index
        %get3A_446 = tpu.vector_load %arg7[%get3A_444, %get3A_445] {strides = array<i32>} : memref<72x192xbf16, #tpu.memory_space<vmem>>, vector<1x32xbf16>,
        %get3A_447 = vector.shape_cast %get3A_446 : vector<1x32xbf16> to vector<32xbf16>
        %get3A_448 = arith.constant 52 : i32
        %get3A_449 = arith.index_cast %get3A_448 : i32 to index
        %get3A_450 = arith.index_cast %mul3A_117 : i32 to index
        %get3A_451 = tpu.vector_load %arg7[%get3A_449, %get3A_450] {strides = array<i32>} : memref<72x192xbf16, #tpu.memory_space<vmem>>, vector<1x32xbf16>,
        %get3A_452 = vector.shape_cast %get3A_451 : vector<1x32xbf16> to vector<32xbf16>
        %max3A_453 = arith.maximumf %get3A_447, %get3A_452 : vector<32xbf16>
        %max3A_454 = arith.maximumf %max3A_420, %max3A_431 : vector<32xbf16>
        %max3A_455 = arith.maximumf %max3A_442, %max3A_453 : vector<32xbf16>
        %max3A_456 = arith.maximumf %max3A_454, %max3A_455 : vector<32xbf16>
        %get3A_457 = arith.constant 53 : i32
        %get3A_458 = arith.index_cast %get3A_457 : i32 to index
        %get3A_459 = arith.index_cast %mul3A_117 : i32 to index
        %get3A_460 = tpu.vector_load %arg7[%get3A_458, %get3A_459] {strides = array<i32>} : memref<72x192xbf16, #tpu.memory_space<vmem>>, vector<1x32xbf16>,
        %get3A_461 = vector.shape_cast %get3A_460 : vector<1x32xbf16> to vector<32xbf16>
        %max3A_462 = arith.maximumf %max3A_456, %get3A_461 : vector<32xbf16>
        %swap3A_463 = arith.constant 5 : i32
        %swap3A_464 = arith.index_cast %swap3A_463 : i32 to index
        %swap3A_465 = arith.index_cast %mul3A_117 : i32 to index
        %swap3A_466 = tpu.vector_load %arg9[%swap3A_464, %swap3A_465] {strides = array<i32>} : memref<8x192xbf16, #tpu.memory_space<vmem>>, vector<1x32xbf16>,
        %swap3A_467 = vector.shape_cast %swap3A_466 : vector<1x32xbf16> to vector<32xbf16>
        %swap3A_468 = vector.shape_cast %max3A_462 : vector<32xbf16> to vector<1x32xbf16>
        tpu.vector_store %arg9[%swap3A_464, %swap3A_465], %swap3A_468 {strides = array<i32>} : memref<8x192xbf16, #tpu.memory_space<vmem>>, vector<1x32xbf16>,
        %get3A_469 = arith.constant 54 : i32
        %get3A_470 = arith.index_cast %get3A_469 : i32 to index
        %get3A_471 = arith.index_cast %mul3A_117 : i32 to index
        %get3A_472 = tpu.vector_load %arg7[%get3A_470, %get3A_471] {strides = array<i32>} : memref<72x192xbf16, #tpu.memory_space<vmem>>, vector<1x32xbf16>,
        %get3A_473 = vector.shape_cast %get3A_472 : vector<1x32xbf16> to vector<32xbf16>
        %get3A_474 = arith.constant 55 : i32
        %get3A_475 = arith.index_cast %get3A_474 : i32 to index
        %get3A_476 = arith.index_cast %mul3A_117 : i32 to index
        %get3A_477 = tpu.vector_load %arg7[%get3A_475, %get3A_476] {strides = array<i32>} : memref<72x192xbf16, #tpu.memory_space<vmem>>, vector<1x32xbf16>,
        %get3A_478 = vector.shape_cast %get3A_477 : vector<1x32xbf16> to vector<32xbf16>
        %max3A_479 = arith.maximumf %get3A_473, %get3A_478 : vector<32xbf16>
        %get3A_480 = arith.constant 56 : i32
        %get3A_481 = arith.index_cast %get3A_480 : i32 to index
        %get3A_482 = arith.index_cast %mul3A_117 : i32 to index
        %get3A_483 = tpu.vector_load %arg7[%get3A_481, %get3A_482] {strides = array<i32>} : memref<72x192xbf16, #tpu.memory_space<vmem>>, vector<1x32xbf16>,
        %get3A_484 = vector.shape_cast %get3A_483 : vector<1x32xbf16> to vector<32xbf16>
        %get3A_485 = arith.constant 57 : i32
        %get3A_486 = arith.index_cast %get3A_485 : i32 to index
        %get3A_487 = arith.index_cast %mul3A_117 : i32 to index
        %get3A_488 = tpu.vector_load %arg7[%get3A_486, %get3A_487] {strides = array<i32>} : memref<72x192xbf16, #tpu.memory_space<vmem>>, vector<1x32xbf16>,
        %get3A_489 = vector.shape_cast %get3A_488 : vector<1x32xbf16> to vector<32xbf16>
        %max3A_490 = arith.maximumf %get3A_484, %get3A_489 : vector<32xbf16>
        %get3A_491 = arith.constant 58 : i32
        %get3A_492 = arith.index_cast %get3A_491 : i32 to index
        %get3A_493 = arith.index_cast %mul3A_117 : i32 to index
        %get3A_494 = tpu.vector_load %arg7[%get3A_492, %get3A_493] {strides = array<i32>} : memref<72x192xbf16, #tpu.memory_space<vmem>>, vector<1x32xbf16>,
        %get3A_495 = vector.shape_cast %get3A_494 : vector<1x32xbf16> to vector<32xbf16>
        %get3A_496 = arith.constant 59 : i32
        %get3A_497 = arith.index_cast %get3A_496 : i32 to index
        %get3A_498 = arith.index_cast %mul3A_117 : i32 to index
        %get3A_499 = tpu.vector_load %arg7[%get3A_497, %get3A_498] {strides = array<i32>} : memref<72x192xbf16, #tpu.memory_space<vmem>>, vector<1x32xbf16>,
        %get3A_500 = vector.shape_cast %get3A_499 : vector<1x32xbf16> to vector<32xbf16>
        %max3A_501 = arith.maximumf %get3A_495, %get3A_500 : vector<32xbf16>
        %get3A_502 = arith.constant 60 : i32
        %get3A_503 = arith.index_cast %get3A_502 : i32 to index
        %get3A_504 = arith.index_cast %mul3A_117 : i32 to index
        %get3A_505 = tpu.vector_load %arg7[%get3A_503, %get3A_504] {strides = array<i32>} : memref<72x192xbf16, #tpu.memory_space<vmem>>, vector<1x32xbf16>,
        %get3A_506 = vector.shape_cast %get3A_505 : vector<1x32xbf16> to vector<32xbf16>
        %get3A_507 = arith.constant 61 : i32
        %get3A_508 = arith.index_cast %get3A_507 : i32 to index
        %get3A_509 = arith.index_cast %mul3A_117 : i32 to index
        %get3A_510 = tpu.vector_load %arg7[%get3A_508, %get3A_509] {strides = array<i32>} : memref<72x192xbf16, #tpu.memory_space<vmem>>, vector<1x32xbf16>,
        %get3A_511 = vector.shape_cast %get3A_510 : vector<1x32xbf16> to vector<32xbf16>
        %max3A_512 = arith.maximumf %get3A_506, %get3A_511 : vector<32xbf16>
        %max3A_513 = arith.maximumf %max3A_479, %max3A_490 : vector<32xbf16>
        %max3A_514 = arith.maximumf %max3A_501, %max3A_512 : vector<32xbf16>
        %max3A_515 = arith.maximumf %max3A_513, %max3A_514 : vector<32xbf16>
        %get3A_516 = arith.constant 62 : i32
        %get3A_517 = arith.index_cast %get3A_516 : i32 to index
        %get3A_518 = arith.index_cast %mul3A_117 : i32 to index
        %get3A_519 = tpu.vector_load %arg7[%get3A_517, %get3A_518] {strides = array<i32>} : memref<72x192xbf16, #tpu.memory_space<vmem>>, vector<1x32xbf16>,
        %get3A_520 = vector.shape_cast %get3A_519 : vector<1x32xbf16> to vector<32xbf16>
        %max3A_521 = arith.maximumf %max3A_515, %get3A_520 : vector<32xbf16>
        %swap3A_522 = arith.constant 6 : i32
        %swap3A_523 = arith.index_cast %swap3A_522 : i32 to index
        %swap3A_524 = arith.index_cast %mul3A_117 : i32 to index
        %swap3A_525 = tpu.vector_load %arg9[%swap3A_523, %swap3A_524] {strides = array<i32>} : memref<8x192xbf16, #tpu.memory_space<vmem>>, vector<1x32xbf16>,
        %swap3A_526 = vector.shape_cast %swap3A_525 : vector<1x32xbf16> to vector<32xbf16>
        %swap3A_527 = vector.shape_cast %max3A_521 : vector<32xbf16> to vector<1x32xbf16>
        tpu.vector_store %arg9[%swap3A_523, %swap3A_524], %swap3A_527 {strides = array<i32>} : memref<8x192xbf16, #tpu.memory_space<vmem>>, vector<1x32xbf16>,
        %get3A_528 = arith.constant 63 : i32
        %get3A_529 = arith.index_cast %get3A_528 : i32 to index
        %get3A_530 = arith.index_cast %mul3A_117 : i32 to index
        %get3A_531 = tpu.vector_load %arg7[%get3A_529, %get3A_530] {strides = array<i32>} : memref<72x192xbf16, #tpu.memory_space<vmem>>, vector<1x32xbf16>,
        %get3A_532 = vector.shape_cast %get3A_531 : vector<1x32xbf16> to vector<32xbf16>
        %get3A_533 = arith.constant 64 : i32
        %get3A_534 = arith.index_cast %get3A_533 : i32 to index
        %get3A_535 = arith.index_cast %mul3A_117 : i32 to index
        %get3A_536 = tpu.vector_load %arg7[%get3A_534, %get3A_535] {strides = array<i32>} : memref<72x192xbf16, #tpu.memory_space<vmem>>, vector<1x32xbf16>,
        %get3A_537 = vector.shape_cast %get3A_536 : vector<1x32xbf16> to vector<32xbf16>
        %max3A_538 = arith.maximumf %get3A_532, %get3A_537 : vector<32xbf16>
        %get3A_539 = arith.constant 65 : i32
        %get3A_540 = arith.index_cast %get3A_539 : i32 to index
        %get3A_541 = arith.index_cast %mul3A_117 : i32 to index
        %get3A_542 = tpu.vector_load %arg7[%get3A_540, %get3A_541] {strides = array<i32>} : memref<72x192xbf16, #tpu.memory_space<vmem>>, vector<1x32xbf16>,
        %get3A_543 = vector.shape_cast %get3A_542 : vector<1x32xbf16> to vector<32xbf16>
        %get3A_544 = arith.constant 66 : i32
        %get3A_545 = arith.index_cast %get3A_544 : i32 to index
        %get3A_546 = arith.index_cast %mul3A_117 : i32 to index
        %get3A_547 = tpu.vector_load %arg7[%get3A_545, %get3A_546] {strides = array<i32>} : memref<72x192xbf16, #tpu.memory_space<vmem>>, vector<1x32xbf16>,
        %get3A_548 = vector.shape_cast %get3A_547 : vector<1x32xbf16> to vector<32xbf16>
        %max3A_549 = arith.maximumf %get3A_543, %get3A_548 : vector<32xbf16>
        %get3A_550 = arith.constant 67 : i32
        %get3A_551 = arith.index_cast %get3A_550 : i32 to index
        %get3A_552 = arith.index_cast %mul3A_117 : i32 to index
        %get3A_553 = tpu.vector_load %arg7[%get3A_551, %get3A_552] {strides = array<i32>} : memref<72x192xbf16, #tpu.memory_space<vmem>>, vector<1x32xbf16>,
        %get3A_554 = vector.shape_cast %get3A_553 : vector<1x32xbf16> to vector<32xbf16>
        %get3A_555 = arith.constant 68 : i32
        %get3A_556 = arith.index_cast %get3A_555 : i32 to index
        %get3A_557 = arith.index_cast %mul3A_117 : i32 to index
        %get3A_558 = tpu.vector_load %arg7[%get3A_556, %get3A_557] {strides = array<i32>} : memref<72x192xbf16, #tpu.memory_space<vmem>>, vector<1x32xbf16>,
        %get3A_559 = vector.shape_cast %get3A_558 : vector<1x32xbf16> to vector<32xbf16>
        %max3A_560 = arith.maximumf %get3A_554, %get3A_559 : vector<32xbf16>
        %get3A_561 = arith.constant 69 : i32
        %get3A_562 = arith.index_cast %get3A_561 : i32 to index
        %get3A_563 = arith.index_cast %mul3A_117 : i32 to index
        %get3A_564 = tpu.vector_load %arg7[%get3A_562, %get3A_563] {strides = array<i32>} : memref<72x192xbf16, #tpu.memory_space<vmem>>, vector<1x32xbf16>,
        %get3A_565 = vector.shape_cast %get3A_564 : vector<1x32xbf16> to vector<32xbf16>
        %get3A_566 = arith.constant 70 : i32
        %get3A_567 = arith.index_cast %get3A_566 : i32 to index
        %get3A_568 = arith.index_cast %mul3A_117 : i32 to index
        %get3A_569 = tpu.vector_load %arg7[%get3A_567, %get3A_568] {strides = array<i32>} : memref<72x192xbf16, #tpu.memory_space<vmem>>, vector<1x32xbf16>,
        %get3A_570 = vector.shape_cast %get3A_569 : vector<1x32xbf16> to vector<32xbf16>
        %max3A_571 = arith.maximumf %get3A_565, %get3A_570 : vector<32xbf16>
        %max3A_572 = arith.maximumf %max3A_538, %max3A_549 : vector<32xbf16>
        %max3A_573 = arith.maximumf %max3A_560, %max3A_571 : vector<32xbf16>
        %max3A_574 = arith.maximumf %max3A_572, %max3A_573 : vector<32xbf16>
        %get3A_575 = arith.constant 71 : i32
        %get3A_576 = arith.index_cast %get3A_575 : i32 to index
        %get3A_577 = arith.index_cast %mul3A_117 : i32 to index
        %get3A_578 = tpu.vector_load %arg7[%get3A_576, %get3A_577] {strides = array<i32>} : memref<72x192xbf16, #tpu.memory_space<vmem>>, vector<1x32xbf16>,
        %get3A_579 = vector.shape_cast %get3A_578 : vector<1x32xbf16> to vector<32xbf16>
        %max3A_580 = arith.maximumf %max3A_574, %get3A_579 : vector<32xbf16>
        %swap3A_581 = arith.constant 7 : i32
        %swap3A_582 = arith.index_cast %swap3A_581 : i32 to index
        %swap3A_583 = arith.index_cast %mul3A_117 : i32 to index
        %swap3A_584 = tpu.vector_load %arg9[%swap3A_582, %swap3A_583] {strides = array<i32>} : memref<8x192xbf16, #tpu.memory_space<vmem>>, vector<1x32xbf16>,
        %swap3A_585 = vector.shape_cast %swap3A_584 : vector<1x32xbf16> to vector<32xbf16>
        %swap3A_586 = vector.shape_cast %max3A_580 : vector<32xbf16> to vector<1x32xbf16>
        tpu.vector_store %arg9[%swap3A_582, %swap3A_583], %swap3A_586 {strides = array<i32>} : memref<8x192xbf16, #tpu.memory_space<vmem>>, vector<1x32xbf16>,
      }
      %scan3A_100 = arith.constant 6 : i32
      %mul3A_101 = arith.constant 8 : i32
      %mul3A_102 = arith.muli %add3A_84, %mul3A_101 : i32
      %add3A_103 = arith.addi %mul3A_2, %mul3A_102 : i32
      %dma_start3A_104 = arith.constant 0 : i32
      %dma_start3A_105 = tpu.memref_slice %arg4[%add3A_103, %dma_start3A_104] : memref<16384x192xbf16, #tpu.memory_space<hbm>> -> memref<8x192xbf16, #tpu.memory_space<hbm>>
      %dma_start3A_106 = arith.constant 0 : i32
      %dma_start3A_107 = tpu.memref_slice %arg4[%add3A_103, %dma_start3A_106] : memref<16384x192xbf16, #tpu.memory_space<hbm>> -> memref<8x192xbf16, #tpu.memory_space<hbm>>
      tpu.enqueue_dma source(%arg9 : memref<8x192xbf16, #tpu.memory_space<vmem>>) target(%dma_start3A_107 : memref<8x192xbf16, #tpu.memory_space<hbm>>) target_semaphore(%arg13 : memref<!tpu.dma_semaphore, #tpu.memory_space<semaphore_mem>>)
      %add3A_108 = arith.constant 2 : i32
      %add3A_109 = arith.addi %add3A_84, %add3A_108 : i32
      %lt3A_110 = arith.constant 64 : i32
      %lt3A_111 = arith.cmpi slt, %add3A_109, %lt3A_110 : i32
      %convert_element_type3A_112 = arith.extui %lt3A_111 : i1 to i32
      %cond3A_113 = arith.constant 0 : i32
      %cond3A_114 = arith.cmpi ne, %convert_element_type3A_112, %cond3A_113 : i32
      scf.if %cond3A_114 {
        %add3A_115 = arith.constant 2 : i32
        %add3A_116 = arith.addi %add3A_84, %add3A_115 : i32
        %mul3A_117 = arith.constant 72 : i32
        %mul3A_118 = arith.muli %add3A_116, %mul3A_117 : i32
        %dma_start3A_119 = tpu.memref_slice %arg5[%mul3A_118] : memref<4608xi32, #tpu.memory_space<vmem>> -> memref<72xi32, #tpu.memory_space<vmem>>
        %dma_start3A_120 = arith.constant 0 : i32
        %dma_start3A_121 = arith.constant 0 : i32
        %dma_start3A_122 = tpu.memref_slice %arg2[%dma_start3A_120, %dma_start3A_121] : memref<16384x192xbf16, #tpu.memory_space<hbm>> -> memref<16384x192xbf16, #tpu.memory_space<hbm>>
        tpu.enqueue_indirect_dma source(%dma_start3A_122 : memref<16384x192xbf16, #tpu.memory_space<hbm>>) target(%arg7 : memref<72x192xbf16, #tpu.memory_space<vmem>>) offsets(%dma_start3A_119 : memref<72xi32, #tpu.memory_space<vmem>>) semaphore(%arg11 : memref<!tpu.dma_semaphore, #tpu.memory_space<semaphore_mem>>)
      } else {
      }
    }
    %scan3A_42 = arith.constant 32 : i32
    %dma_wait3A = arith.constant 0 : i32
    %dma_wait3A_43 = tpu.memref_slice %arg4[%mul3A_2, %dma_wait3A] : memref<16384x192xbf16, #tpu.memory_space<hbm>> -> memref<8x192xbf16, #tpu.memory_space<hbm>>
    %dma_wait3A_44 = arith.constant 0 : i32
    %dma_wait3A_45 = tpu.memref_slice %arg4[%mul3A_2, %dma_wait3A_44] : memref<16384x192xbf16, #tpu.memory_space<hbm>> -> memref<8x192xbf16, #tpu.memory_space<hbm>>
    tpu.wait_dma2 semaphore(%arg12 : memref<!tpu.dma_semaphore, #tpu.memory_space<semaphore_mem>>) src(%arg8 : memref<8x192xbf16, #tpu.memory_space<vmem>>) dst(%dma_wait3A_45 : memref<8x192xbf16, #tpu.memory_space<hbm>>)
    %dma_wait3A_46 = arith.constant 0 : i32
    %dma_wait3A_47 = tpu.memref_slice %arg4[%mul3A_2, %dma_wait3A_46] : memref<16384x192xbf16, #tpu.memory_space<hbm>> -> memref<8x192xbf16, #tpu.memory_space<hbm>>
    %dma_wait3A_48 = arith.constant 0 : i32
    %dma_wait3A_49 = tpu.memref_slice %arg4[%mul3A_2, %dma_wait3A_48] : memref<16384x192xbf16, #tpu.memory_space<hbm>> -> memref<8x192xbf16, #tpu.memory_space<hbm>>
    tpu.wait_dma2 semaphore(%arg13 : memref<!tpu.dma_semaphore, #tpu.memory_space<semaphore_mem>>) src(%arg9 : memref<8x192xbf16, #tpu.memory_space<vmem>>) dst(%dma_wait3A_49 : memref<8x192xbf16, #tpu.memory_space<hbm>>)
    return
  }
}

module attributes {stable_mosaic.version = 14 : i64} {
  func.func @_z_body(%arg0: i32, %arg1: i32, %arg2: memref<1x192x1024xf32, #tpu.memory_space<vmem>>, %arg3: memref<192x384xf32, #tpu.memory_space<vmem>>, %arg4: memref<1024x192xbf16, #tpu.memory_space<vmem>>) attributes {dimension_semantics = [#tpu.dimension_semantics<arbitrary>, #tpu.dimension_semantics<arbitrary>], iteration_bounds = array<i64: 4, 4>, scalar_prefetch = 0 : i64, scratch_operands = 0 : i64, tpu.core_type = #tpu.core_type<tc>, window_params = [{transform_indices = @transform_0, window_bounds = array<i64: 1, 192, 1024>}, {pipeline_mode = #tpu.pipeline_mode<synchronous>, transform_indices = @transform_1, window_bounds = array<i64: 192, 384>}, {transform_indices = @transform_2, window_bounds = array<i64: 1024, 192>}]} {
    %get3A = arith.constant 0 : index
    %get3A_0 = arith.constant 0 : index
    %get3A_1 = arith.constant 0 : index
    %get3A_2 = vector.load %arg2[%get3A, %get3A_0, %get3A_1] : memref<1x192x1024xf32, #tpu.memory_space<vmem>>, vector<1x192x1024xf32>
    %get3A_3 = vector.shape_cast %get3A_2 : vector<1x192x1024xf32> to vector<192x1024xf32>
    %get3A_4 = arith.constant 0 : index
    %get3A_5 = arith.constant 192 : index
    %get3A_6 = vector.load %arg3[%get3A_4, %get3A_5] : memref<192x384xf32, #tpu.memory_space<vmem>>, vector<192x192xf32>
    %dot_general3A = arith.constant dense<0.000000e+00> : vector<1024x192xf32>
    %dot_general3A_7 = tpu.matmul %get3A_3, %get3A_6, %dot_general3A {dimension_numbers = #tpu.dot_dimension_numbers<[0], [1], [1], [0], [0, 1, 1, 0], [], []>, transpose_lhs_hint = false} : vector<192x1024xf32>, vector<192x192xf32>, vector<1024x192xf32> -> vector<1024x192xf32>
    %convert_element_type3A = arith.truncf %dot_general3A_7 : vector<1024x192xf32> to vector<1024x192xbf16>
    %swap3A = arith.constant 0 : index
    %swap3A_8 = arith.constant 0 : index
    %swap3A_9 = vector.load %arg4[%swap3A, %swap3A_8] : memref<1024x192xbf16, #tpu.memory_space<vmem>>, vector<1024x192xbf16>
    tpu.vector_store %arg4[%swap3A, %swap3A_8], %convert_element_type3A {strides = array<i32>} : memref<1024x192xbf16, #tpu.memory_space<vmem>>, vector<1024x192xbf16>,
    return
  }
  func.func @transform_0(%arg0: i32, %arg1: i32) -> (i32, i32, i32) {
    %c0_i32 = arith.constant 0 : i32
    %c0_i32_0 = arith.constant 0 : i32
    return %arg0, %c0_i32, %arg1 : i32, i32, i32
  }
  func.func @transform_1(%arg0: i32, %arg1: i32) -> (i32, i32) {
    %c0_i32 = arith.constant 0 : i32
    %c0_i32_0 = arith.constant 0 : i32
    %c0_i32_1 = arith.constant 0 : i32
    return %c0_i32, %c0_i32_0 : i32, i32
  }
  func.func @transform_2(%arg0: i32, %arg1: i32) -> (i32, i32) {
    %mul3A = arith.constant 4 : i32
    %mul3A_0 = arith.muli %arg0, %mul3A : i32
    %add3A = arith.addi %mul3A_0, %arg1 : i32
    %c0_i32 = arith.constant 0 : i32
    %c0_i32_1 = arith.constant 0 : i32
    return %add3A, %c0_i32 : i32, i32
  }
}

module attributes {stable_mosaic.version = 14 : i64} {
  func.func @_y_body(%arg0: i32, %arg1: i32, %arg2: memref<1x192x1024xf32, #tpu.memory_space<vmem>>, %arg3: memref<192x384xf32, #tpu.memory_space<vmem>>, %arg4: memref<192x1xf32, #tpu.memory_space<vmem>>, %arg5: memref<1x192x1024xf32, #tpu.memory_space<vmem>>) attributes {dimension_semantics = [#tpu.dimension_semantics<arbitrary>, #tpu.dimension_semantics<arbitrary>], iteration_bounds = array<i64: 4, 4>, scalar_prefetch = 0 : i64, scratch_operands = 0 : i64, tpu.core_type = #tpu.core_type<tc>, window_params = [{transform_indices = @transform_0, window_bounds = array<i64: 1, 192, 1024>}, {pipeline_mode = #tpu.pipeline_mode<synchronous>, transform_indices = @transform_1, window_bounds = array<i64: 192, 384>}, {pipeline_mode = #tpu.pipeline_mode<synchronous>, transform_indices = @transform_2, window_bounds = array<i64: 192, 1>}, {transform_indices = @transform_3, window_bounds = array<i64: 1, 192, 1024>}]} {
    %get3A = arith.constant 0 : index
    %get3A_0 = arith.constant 0 : index
    %get3A_1 = arith.constant 0 : index
    %get3A_2 = vector.load %arg2[%get3A, %get3A_0, %get3A_1] : memref<1x192x1024xf32, #tpu.memory_space<vmem>>, vector<1x192x1024xf32>
    %get3A_3 = vector.shape_cast %get3A_2 : vector<1x192x1024xf32> to vector<192x1024xf32>
    %get3A_4 = arith.constant 0 : index
    %get3A_5 = arith.constant 0 : index
    %get3A_6 = vector.load %arg3[%get3A_4, %get3A_5] : memref<192x384xf32, #tpu.memory_space<vmem>>, vector<192x192xf32>
    %get3A_7 = arith.constant 0 : index
    %get3A_8 = arith.constant 192 : index
    %get3A_9 = vector.load %arg3[%get3A_7, %get3A_8] : memref<192x384xf32, #tpu.memory_space<vmem>>, vector<192x192xf32>
    %sub3A = arith.subf %get3A_6, %get3A_9 : vector<192x192xf32>
    %dot_general3A = arith.constant dense<0.000000e+00> : vector<192x1024xf32>
    %dot_general3A_10 = tpu.matmul %sub3A, %get3A_3, %dot_general3A {dimension_numbers = #tpu.dot_dimension_numbers<[1], [0], [0], [1], [0, 0, 1, 1], [], []>, transpose_lhs_hint = false} : vector<192x192xf32>, vector<192x1024xf32>, vector<192x1024xf32> -> vector<192x1024xf32>
    %get3A_11 = arith.constant 0 : index
    %get3A_12 = arith.constant 0 : index
    %get3A_13 = vector.load %arg4[%get3A_11, %get3A_12] : memref<192x1xf32, #tpu.memory_space<vmem>>, vector<192x1xf32>
    %add3A = vector.broadcast %get3A_13 : vector<192x1xf32> to vector<192x1024xf32>
    %add3A_14 = arith.addf %dot_general3A_10, %add3A : vector<192x1024xf32>
    %swap3A = arith.constant 0 : index
    %swap3A_15 = arith.constant 0 : index
    %swap3A_16 = arith.constant 0 : index
    %swap3A_17 = vector.load %arg5[%swap3A, %swap3A_15, %swap3A_16] : memref<1x192x1024xf32, #tpu.memory_space<vmem>>, vector<1x192x1024xf32>
    %swap3A_18 = vector.shape_cast %swap3A_17 : vector<1x192x1024xf32> to vector<192x1024xf32>
    %swap3A_19 = vector.shape_cast %add3A_14 : vector<192x1024xf32> to vector<1x192x1024xf32>
    tpu.vector_store %arg5[%swap3A, %swap3A_15, %swap3A_16], %swap3A_19 {strides = array<i32>} : memref<1x192x1024xf32, #tpu.memory_space<vmem>>, vector<1x192x1024xf32>,
    return
  }
  func.func @transform_0(%arg0: i32, %arg1: i32) -> (i32, i32, i32) {
    %c0_i32 = arith.constant 0 : i32
    %c0_i32_0 = arith.constant 0 : i32
    return %arg0, %c0_i32, %arg1 : i32, i32, i32
  }
  func.func @transform_1(%arg0: i32, %arg1: i32) -> (i32, i32) {
    %c0_i32 = arith.constant 0 : i32
    %c0_i32_0 = arith.constant 0 : i32
    %c0_i32_1 = arith.constant 0 : i32
    return %c0_i32, %c0_i32_0 : i32, i32
  }
  func.func @transform_2(%arg0: i32, %arg1: i32) -> (i32, i32) {
    %c0_i32 = arith.constant 0 : i32
    %c0_i32_0 = arith.constant 0 : i32
    %c0_i32_1 = arith.constant 0 : i32
    return %c0_i32, %c0_i32_0 : i32, i32
  }
  func.func @transform_3(%arg0: i32, %arg1: i32) -> (i32, i32, i32) {
    %c0_i32 = arith.constant 0 : i32
    %c0_i32_0 = arith.constant 0 : i32
    return %arg0, %c0_i32, %arg1 : i32, i32, i32
  }
}

module attributes {stable_mosaic.version = 14 : i64} {
  func.func @_relu_body(%arg0: i32, %arg1: i32, %arg2: memref<1x192x1024xf32, #tpu.memory_space<vmem>>, %arg3: memref<1024x192xbf16, #tpu.memory_space<vmem>>, %arg4: memref<1x192x1024xf32, #tpu.memory_space<vmem>>) attributes {dimension_semantics = [#tpu.dimension_semantics<arbitrary>, #tpu.dimension_semantics<arbitrary>], iteration_bounds = array<i64: 4, 4>, scalar_prefetch = 0 : i64, scratch_operands = 0 : i64, tpu.core_type = #tpu.core_type<tc>, window_params = [{transform_indices = @transform_0, window_bounds = array<i64: 1, 192, 1024>}, {transform_indices = @transform_1, window_bounds = array<i64: 1024, 192>}, {transform_indices = @transform_2, window_bounds = array<i64: 1, 192, 1024>}]} {
    %get3A = arith.constant 0 : index
    %get3A_0 = arith.constant 0 : index
    %get3A_1 = vector.load %arg3[%get3A, %get3A_0] : memref<1024x192xbf16, #tpu.memory_space<vmem>>, vector<1024x192xbf16>
    %transpose3A = tpu.transpose %get3A_1, [1, 0] : vector<1024x192xbf16> -> vector<192x1024xbf16>
    %convert_element_type3A = arith.extf %transpose3A : vector<192x1024xbf16> to vector<192x1024xf32>
    %get3A_2 = arith.constant 0 : index
    %get3A_3 = arith.constant 0 : index
    %get3A_4 = arith.constant 0 : index
    %get3A_5 = vector.load %arg2[%get3A_2, %get3A_3, %get3A_4] : memref<1x192x1024xf32, #tpu.memory_space<vmem>>, vector<1x192x1024xf32>
    %get3A_6 = vector.shape_cast %get3A_5 : vector<1x192x1024xf32> to vector<192x1024xf32>
    %add3A = arith.addf %get3A_6, %convert_element_type3A : vector<192x1024xf32>
    %max3A = arith.constant 0.000000e+00 : f32
    %max3A_7 = vector.broadcast %max3A : f32 to vector<192x1024xf32>
    %max3A_8 = arith.maximumf %add3A, %max3A_7 : vector<192x1024xf32>
    %swap3A = arith.constant 0 : index
    %swap3A_9 = arith.constant 0 : index
    %swap3A_10 = arith.constant 0 : index
    %swap3A_11 = vector.load %arg4[%swap3A, %swap3A_9, %swap3A_10] : memref<1x192x1024xf32, #tpu.memory_space<vmem>>, vector<1x192x1024xf32>
    %swap3A_12 = vector.shape_cast %swap3A_11 : vector<1x192x1024xf32> to vector<192x1024xf32>
    %swap3A_13 = vector.shape_cast %max3A_8 : vector<192x1024xf32> to vector<1x192x1024xf32>
    tpu.vector_store %arg4[%swap3A, %swap3A_9, %swap3A_10], %swap3A_13 {strides = array<i32>} : memref<1x192x1024xf32, #tpu.memory_space<vmem>>, vector<1x192x1024xf32>,
    return
  }
  func.func @transform_0(%arg0: i32, %arg1: i32) -> (i32, i32, i32) {
    %c0_i32 = arith.constant 0 : i32
    %c0_i32_0 = arith.constant 0 : i32
    return %arg0, %c0_i32, %arg1 : i32, i32, i32
  }
  func.func @transform_1(%arg0: i32, %arg1: i32) -> (i32, i32) {
    %mul3A = arith.constant 4 : i32
    %mul3A_0 = arith.muli %arg0, %mul3A : i32
    %add3A = arith.addi %mul3A_0, %arg1 : i32
    %c0_i32 = arith.constant 0 : i32
    %c0_i32_1 = arith.constant 0 : i32
    return %add3A, %c0_i32 : i32, i32
  }
  func.func @transform_2(%arg0: i32, %arg1: i32) -> (i32, i32, i32) {
    %c0_i32 = arith.constant 0 : i32
    %c0_i32_0 = arith.constant 0 : i32
    return %arg0, %c0_i32, %arg1 : i32, i32, i32
  }
}

</mosaic_0001>

<sc_bundles>
// kernel: kernel.6.cloned.1.call-start
scs
__scs_entry_jumppad:
0x0: {  	(pc) =	sbr.rel $0x88, $3  }
0x1: {  	(tag) =	ssettag $0x0;
	lr =	simm.s32 $0x1  }
0x2: {  	[smem:$0x3F9D] =	sst lr;
	_ =	strace $0xD0000000  }
0x3: {  	_ = 	snop  }
0x4: {  	_ = 	snop  }
0x5: {  	_ = 	snop  }
0x6: {  	_ = 	snop  }
0x7: {  	_ = 	snop  }
__scs_overlays_trampoline_lowered:
0x8: {  	[smem:$0x3FAC] =	sst s0  }
0x9: {  	[smem:$0x3FAD] =	sst s1  }
0xa: {  	[smem:$0x3FAE] =	sst s2  }
0xb: {  	[smem:$0x3FAF] =	sst s3  }
0xc: {  	[smem:$0x3FB0] =	sst s4  }
0xd: {  	[smem:$0x3FB1] =	sst s5  }
0xe: {  	[smem:$0x3FB2] =	sst s6  }
0xf: {  	[smem:$0x3FB3] =	sst s7  }
0x10: {  	[smem:$0x3FB4] =	sst s8  }
0x11: {  	[smem:$0x3FB5] =	sst s9;
	s0 =	simm.s32 @!p0 $0x0  }
0x12: {  	s1 =	sld [smem:$0x3F9B];
	s0 =	simm.s32 @p0 $0x1  }
0x13: {  	[smem:$0x3FB6] =	sst s0;
	s0 =	simm.s32 @!p1 $0x0  }
0x14: {  	s2 =	sld [smem:$0x3F9A];
	s0 =	simm.s32 @p1 $0x1  }
0x15: {  	[smem:$0x3FB7] =	sst s0;
	s0 =	simm.s32 @!p2 $0x0  }
0x16: {  	s3 =	sld [smem:$0x3FDB];
	s0 =	simm.s32 @p2 $0x1  }
0x17: {  	s4 =	simm.s32 $0x1BF5;
	[smem:$0x3FB9] =	sst s0  }
0x18: {  	s0 =	sld [smem:$0x3F9C];
	_ =	swait.ge [sflag:s4], $0x0  }
0x19: {  	s7 =	sld [smem:$0x3F9D]  }
0x1a: {  	s8 =	sadd.s32 $0xFFFFE003, lr  }
0x1b: {  	s9 =	sadd.s32 $0xFFFFFEF7, lr;
	s5 =	simm.s32 $0xFFFFFFFF;
	p2 =	slt.u32 s8, $0xFFFFF086  }
0x1c: {  	p1 =	slt.u32 s9, $0xF7A;
	s5 =	simm.s32 @!p2 $0x0  }
0x1d: {  	s5 =	simm.s32 @p1 $0x1;
	p0 =	seq.s32 s7, s2  }
0x1e: {  	s7 =	smul.u32 @!p0 $0xF7A, s2;
	p2 =	seq.s32 @!p0 s5, $0x0  }
0x1f: {  	s9 =	smul.u32 $0xF7A, s1;
	s8 =	simm.s32 @!p0 $0x1BF5;
	p2 =	por !p2, p0  }
0x20: {  	[sflag:s8] =	ssyncset.s32 @!p0 $0xFFFFF086;
	s6 =	sadd.s32 @!p0 s3, s7;
	s7 =	simm.s32 @!p0 $0x108  }
0x21: {  	s3 =	sadd.s32 s3, s9;
	s6 =	sadd.s32 @!p0 $0x88, s6;
	s7 =	simm.s32 @p2 $0x1082  }
0x22: {  	[simem:s7], [sflag:s8] =	dma.local @!p0 [hbm:s6], $0xF7A  }
0x23: {  	s9 =	sor.u32 $0xD0000000, s2;
	s6 =	simm.s32 $0x108;
	_ =	swait.ge @!p0 [sflag:s8], $0x0  }
0x24: {  	s3 =	sadd.s32 $0x88, s3;
	s6 =	simm.s32 @!p1 $0x1082;
	[sflag:s4] =	ssyncset.s32 $0xFFFFF086  }
0x25: {  	[simem:s6], [sflag:s4] =	dma.local [hbm:s3], $0xF7A  }
0x26: {  	[smem:$0x3F9D] =	sst s1;
	(tag) =	ssettag s2;
	_ =	strace s9  }
0x27: {  	s1 =	sld [smem:$0x3FAD]  }
0x28: {  	s2 =	sld [smem:$0x3FAE]  }
0x29: {  	s4 =	sld [smem:$0x3FB0]  }
0x2a: {  	p0 =	seq.s32 s5, $0x0;
	s5 =	sld [smem:$0x3FB1]  }
0x2b: {  	s6 =	sld [smem:$0x3FB2]  }
0x2c: {  	s7 =	sld [smem:$0x3FB3]  }
0x2d: {  	s3 =	simm.s32 $0x108;
	s8 =	sld [smem:$0x3FB4]  }
0x2e: {  	s3 =	simm.s32 @!p0 $0x1082;
	s9 =	sld [smem:$0x3FB5]  }
0x2f: {  	lr =	sadd.s32 s0, s3;
	s0 =	sld [smem:$0x3FAC]  }
0x30: {  	s3 =	sld [smem:$0x3FAF]  }
0x31: {  	[smem:$0x3FB8] =	sst s10  }
0x32: {  	s10 =	sld [smem:$0x3FB6];
	_ =	sdelay $0x3  }
0x33: {  	p0 =	seq.s32 s10, $0x1;
	s10 =	sld [smem:$0x3FB8];
	_ =	sdelay $0x3  }
0x34: {  	[smem:$0x3FB8] =	sst s10  }
0x35: {  	s10 =	sld [smem:$0x3FB7];
	_ =	sdelay $0x3  }
0x36: {  	p1 =	seq.s32 s10, $0x1;
	s10 =	sld [smem:$0x3FB8];
	_ =	sdelay $0x3  }
0x37: {  	[smem:$0x3FB8] =	sst s10  }
0x38: {  	s10 =	sld [smem:$0x3FB9]  }
0x39: {  	_ = 	snop;
	(pc) =	sbr.ind lr, $3  }
0x3a: {  	_ = 	snop  }
0x3b: {  	_ = 	snop  }
0x3c: {  	p2 =	seq.s32 s10, $0x1;
	s10 =	sld [smem:$0x3FB8]  }
0x3d: {  	_ =	shalt  }
0x3e: {  	_ =	shalt  }
0x3f: {  	_ =	shalt  }
0x40: {  	_ =	shalt  }
0x41: {  	_ =	shalt  }
0x42: {  	_ =	shalt  }
0x43: {  	_ =	shalt  }
0x44: {  	_ =	shalt  }
0x45: {  	_ =	shalt  }
0x46: {  	_ =	shalt  }
0x47: {  	_ =	shalt  }
0x48: {  	_ =	shalt  }
0x49: {  	_ =	shalt  }
0x4a: {  	_ =	shalt  }
0x4b: {  	_ =	shalt  }
0x4c: {  	_ =	shalt  }
0x4d: {  	_ =	shalt  }
0x4e: {  	_ =	shalt  }
0x4f: {  	_ =	shalt  }
0x50: {  	_ =	shalt  }
0x51: {  	_ =	shalt  }
0x52: {  	_ =	shalt  }
0x53: {  	_ =	shalt  }
0x54: {  	_ =	shalt  }
0x55: {  	_ =	shalt  }
0x56: {  	_ =	shalt  }
0x57: {  	_ =	shalt  }
0x58: {  	_ =	shalt  }
0x59: {  	_ =	shalt  }
0x5a: {  	_ =	shalt  }
0x5b: {  	_ =	shalt  }
0x5c: {  	_ =	shalt  }
0x5d: {  	_ =	shalt  }
0x5e: {  	_ =	shalt  }
0x5f: {  	_ =	shalt  }
0x60: {  	_ =	shalt  }
0x61: {  	_ =	shalt  }
0x62: {  	_ =	shalt  }
0x63: {  	_ =	shalt  }
0x64: {  	_ =	shalt  }
0x65: {  	_ =	shalt  }
0x66: {  	_ =	shalt  }
0x67: {  	_ =	shalt  }
0x68: {  	_ =	shalt  }
0x69: {  	_ =	shalt  }
0x6a: {  	_ =	shalt  }
0x6b: {  	_ =	shalt  }
0x6c: {  	_ =	shalt  }
0x6d: {  	_ =	shalt  }
0x6e: {  	_ =	shalt  }
0x6f: {  	_ =	shalt  }
0x70: {  	_ =	shalt  }
0x71: {  	_ =	shalt  }
0x72: {  	_ =	shalt  }
0x73: {  	_ =	shalt  }
0x74: {  	_ =	shalt  }
0x75: {  	_ =	shalt  }
0x76: {  	_ =	shalt  }
0x77: {  	_ =	shalt  }
0x78: {  	_ =	shalt  }
0x79: {  	_ =	shalt  }
0x7a: {  	_ =	shalt  }
0x7b: {  	_ =	shalt  }
0x7c: {  	_ =	shalt  }
0x7d: {  	_ =	shalt  }
0x7e: {  	_ =	shalt  }
0x7f: {  	_ =	shalt  }
0x80: {  	_ =	shalt  }
0x81: {  	_ =	shalt  }
0x82: {  	_ =	shalt  }
0x83: {  	_ =	shalt  }
0x84: {  	_ =	shalt  }
0x85: {  	_ =	shalt  }
0x86: {  	_ =	shalt  }
0x87: {  	_ =	shalt  }
.Lfunc_end0:
.L_simem_size_0:
called_computation_lowered:
.L_overlay_start_0:
0x88: {  	s2 =	sld [smem:$0x3FD9]  }
0x89: {  	s3 =	sld [smem:$0x3FFE];
	_ =	sdelay $0x1  }
0x8a: {  	s1 =	srdreg.scid  }
0x8b: {  	s0 =	sand.u32 $0x1, s1  }
0x8c: {  	s16 =	sshll.u32 s0, $0xA;
	s2 =	sadd.s32 s3, s2  }
0x8d: {  	s2 =	sadd.s32 s2, s16  }
0x8e: {  	[smem:$0x3FC4] =	sst s2  }
0x8f: {  	_ = 	snop  }
0x90: {  	(tm) =	ssettm $0x1  }
0x91: {  	s17 =	sld [smem:$0x3FFB];
	_ =	sdelay $0x3  }
0x92: {  	_ =	strace s17  }
0x93: {  	s2 =	sld [smem:$0x3FFC];
	_ =	sdelay $0x3  }
0x94: {  	_ =	strace s2  }
0x95: {  	s2 =	sld [smem:$0x3FFD];
	_ =	sdelay $0x3  }
0x96: {  	_ =	strace s2  }
0x97: {  	_ =	strace $0x8FFFFFFF  }
0x98: {  	s18 =	sld [smem:$0x3FDB];
	_ =	sdelay $0x1  }
0x99: {  	s19 =	simm.s32 $_scs_section_size  }
0x9a: {  	s4 =	simm.s32 $_size__tile_overlayer_lowered;
	s5 =	simm.s32 $_tile_overlayer_lowered  }
0x9b: {  	s22 =	simm.s32 $0x1BFF;
	s21 =	sshll.u32 s5, $0x1;
	s2 =	sadd.s32 s19, s18  }
0x9c: {  	s6 =	simm.s32 $0x0;
	s20 =	sshll.u32 s4, $0x1;
	s4 =	sadd.s32 s21, s2  }
0x9d: {  	[timem:s6], [sflag:s22] =	dma.local [hbm:s4], s20  }
0x9e: {  	_ =	swait.ge [sflag:s22], s20  }
0x9f: {  	s3 =	ssub.s32 $0x0, s20;
	[sflag:s22] =	ssyncset.done $0x0  }
0xa0: {  	[sflag:s22] =	ssyncadd.s32 s3;
	_ =	sdelay $0x1  }
0xa1: {  	s23 =	simm.s32 $0x1B8B  }
0xa2: {  	_ =	swait.ge [sflag:s23], $0x1  }
0xa3: {  	[sflag:s23] =	ssyncset.done $0x0  }
0xa4: {  	s25 =	simm.s32 $0x1B8E;
	s24 =	sld [smem:$0x3FFE];
	[sflag:s23] =	ssyncadd.s32 $0xFFFFFFFF  }
0xa5: {  	s26 =	simm.s32 $execute0_lowered;
	[smem:$0x3FD2] =	sst s25  }
0xa6: {  	s4 =	sshll.u32 s26, $0x1;
	_ =	strace $0x80000046;
	[dreg:$0x1] =	wrdreg $0xFFFFFFFF  }
0xa7: {  	s28 =	simm.s32 $_size_execute0_lowered;
	s2 =	sadd.s32 s2, s4;
	[dreg:$0x0] =	wrdreg $0x0  }
0xa8: {  	s4 =	sshll.u32 s28, $0x1;
	[dreg:$0x2] =	wrdreg s2  }
0xa9: {  	[dreg:$0x3] =	wrdreg s4  }
0xaa: {  	[dreg:$0x4] =	wrdreg $0xC0  }
0xab: {  	_ =	task [dreg:s6], $0x5FFFF  }
0xac: {  	[dreg:$0x1] =	wrdreg $0xFFFFFFFF  }
0xad: {  	[dreg:$0x0] =	wrdreg $0x60  }
0xae: {  	[dreg:$0x2] =	wrdreg s24  }
0xaf: {  	[dreg:$0x3] =	wrdreg $0x9  }
0xb0: {  	_ =	task.clear_ibuf [dreg:s6], $0x4FFFF;
	_ =	strace $0x90000046  }
0xb1: {  	s29 =	simm.s32 $0x9;
	_ =	strace $0x80000048  }
0xb2: {  	_ =	swait.ge [sflag:s29], $0x1  }
0xb3: {  	[sflag:s29] =	ssyncadd.s32 $0xFFFFFFFF  }
0xb4: {  	_ =	strace $0x90000048  }
0xb5: {  	_ =	sfence  }
0xb6: {  	s30 =	sld [smem:$0x0];
	_ =	sdelay $0x2  }
0xb7: {  	s31 =	sshll.u32 s1, $0xD;
	s1 =	sshrl.u32 s1, $0x2  }
0xb8: {  	s3 =	sand.u32 $0x4000, s31;
	s1 =	sadd.s32 s1, s30  }
0xb9: {  	s0 =	sor.u32 s3, s0;
	s1 =	sshll.u32 s1, $0x11  }
0xba: {  	s0 =	sor.u32 s1, s0  }
0xbb: {  	s0 =	sadd.s32 $0x8F2B, s0  }
0xbc: {  	[sflag:s0] =	ssyncadd.remote.s32 $0x1  }
0xbd: {  	_ =	sfence.sel $0xFFFF  }
0xbe: {  	[dreg:$0x0] =	wrdreg $0xFFFFFFFF;
	(pc) =	sbr.abs _section_cstart, $3  }
0xbf: {  	[dreg:$0x1] =	wrdreg $0xFFFFFFFF  }
0xc0: {  	_ =	task.clear_ibuf [dreg:s6], $0x2FFFF;
	_ =	strace $0x9FFFFFFF  }
0xc1: {  	(tm) =	ssettm $0x7FFFFFFF  }
tec
execute0_lowered:
.L_overlay_start_1:
0x0: {  	(tag) =	ssettag $0x1  }
0x1: {  	s1 =	srdreg.scid  }
0x2: {  	s0 =	stileid.u32;
	s4 =	rddreg [dreg:$0x0]  }
0x3: {  	s2 =	simm.s32 $0x0;
	s10 =	simm.s32 $0x1200;
	s11 =	simm.s32 $0x2D00  }
0x4: {  	s12 =	simm.s32 $0x1;
	s13 =	simm.s32 $0x4800;
	s14 =	simm.s32 $0x2  }
0x5: {  	s15 =	simm.s32 $0x4;
	s17 =	simm.s32 $0x3;
	s18 =	simm.s32 $0x0  }
0x6: {  	s5 =	sand.u32 $0x1, s1;
	s3 =	sshll.u32 s0, $0x1;
	[smem:$0x7FF] =	sst s2  }
0x7: {  	s1 =	rddreg [dreg:$0x1];
	s6 =	sor.u32 s5, s3;
	_ =	strace $0x80000047  }
.Ltmp0:
0x8: {  	s3 =	sadd.s32 $0xE00, s4;
	s8 =	ssub.s32 $0x2, s5;
	(pc) =	sbr.rel .LBB2_1-.Ltmp0, $4  }
0x9: {  	s7 =	smul.u32 $0x240, s6;
	s9 =	sshrl.u32 s8, $0x1;
	s5 =	sshll.u32 s6, $0x9  }
0xa: {  	s8 =	ssub.s32 s8, s9;
	s16 =	sand.u32 $0x3000, s5;
	s9 =	simm.s32 $0x48  }
0xb: {  	s7 =	sadd.s32 s7, s4;
	s4 =	sadd.s32 $0x39E00, s4;
	v0 =	vmov s16;
	s16 =	simm.s32 $0x4B00  }
0xc: {  	s6 =	sadd.s32 $0x30E00, s7;
	s7 =	smax.u32 s8, $0x1;
	s8 =	simm.s32 $0x5  }
.LBB2_14:
0xd: {  	s18 =	sadd.s32 $0x1, s18  }
0xe: {  	_ =	swait.ge [sflag:s17], $0x300;
	p0 =	sne.s32 s18, s7  }
.Ltmp1:
0xf: {  	[sflag:s17] =	ssyncset.done $0x0;
	(pc) =	sbr.rel @!p0 .LBB2_15-.Ltmp1, $4  }
0x10: {  	[sflag:s17] =	ssyncadd.s32 $0xFFFFFD00  }
0x11: {  	_ =	swait.ge [sflag:s15], $0x300  }
0x12: {  	[sflag:s15] =	ssyncset.done $0x0  }
0x13: {  	[sflag:s15] =	ssyncadd.s32 $0xFFFFFD00  }
.LBB2_1:
0x14: {  	[tilespmem:s2], [sflag:$0x5] =	stream.linear.gather [hbm4b:s6+s2], $0x1200, $0x38;
	[tilespmem:$0x4E00] =	vst v63  }
0x15: {  	_ =	swait.ge [sflag:s8], $0x1200  }
0x16: {  	[sflag:s8] =	ssyncset.done $0x0  }
0x17: {  	s19 =	simm.s32 $0x0;
	s20 =	simm.s32 $0x40;
	[sflag:s8] =	ssyncadd.s32 $0xFFFFEE00  }
.LBB2_2:
0x18: {  	p0 =	sne.s32 s20, $0x47C0;
	v1 =	vld [tilespmem:s19+$0x0];
	_ =	sdelay $0x1  }
.Ltmp2:
0x19: {  	(pc) =	sbr.rel @p0 .LBB2_2-.Ltmp2, $3  }
0x1a: {  	_ =	sdelay $0x1  }
0x1b: {  	v1 =	vadd.s32 v0, v1  }
0x1c: {  	[tilespmem:s19+$0x0] =	vst v1;
	s19 =	sshra.s32 s20, $0x2;
	s20 =	sadd.s32 $0x40, s20  }
0x1d: {  	v1 =	vld [tilespmem:s19+$0x0];
	_ =	sdelay $0x4  }
0x1e: {  	v1 =	vadd.s32 v0, v1  }
0x1f: {  	[tilespmem:s19+$0x0] =	vst v1;
	s19 =	simm.s32 $0x0  }
0x20: {  	[tilespmem:s10], [sflag:$0x1] =	stream.indirect.gather [hbm4b:s3+s9], $0x60, s19, s9, $0xb8;
	[tilespmem:$0x4E00] =	vst v63  }
0x21: {  	_ = 	snop  }
0x22: {  	[tilespmem:s11], [sflag:$0x2] =	stream.indirect.gather [hbm4b:s3+s9], $0x60, s9, s9, $0xb8;
	[tilespmem:$0x4E00] =	vst v63  }
.LBB2_4:
0x23: {  	_ =	swait.ge [sflag:s12], $0x1B00  }
0x24: {  	p0 =	seq.s32 s19, $0x0;
	[sflag:s12] =	ssyncset.done $0x0  }
0x25: {  	s20 =	simm.s32 @!p0 $0x3;
	[sflag:s12] =	ssyncadd.s32 $0xFFFFE500  }
0x26: {  	_ =	swait.ge @!p0 [sflag:s20], $0x300  }
0x27: {  	[sflag:s20] =	ssyncset.done @!p0 $0x0  }
0x28: {  	s21 =	simm.s32 $0x0;
	[sflag:s20] =	ssyncadd.s32 @!p0 $0xFFFFFD00  }
0x29: {  	v1 =	vld [tilespmem:s21+$0x29A0]  }
0x2a: {  	v2 =	vld [tilespmem:s21+$0x2A00]  }
0x2b: {  	v3 =	vld [tilespmem:s21+$0x2A60]  }
0x2c: {  	v4 =	vld [tilespmem:s21+$0x2AC0]  }
0x2d: {  	v5 =	vld [tilespmem:s21+$0x2B20]  }
0x2e: {  	v6 =	vld [tilespmem:s21+$0x2B80]  }
0x2f: {  	s20 =	simm.s32 $0x40;
	v7 =	vld [tilespmem:s21+$0x2BE0]  }
.LBB2_5:
0x30: {  	p1 =	sne.s32 s20, $0x140;
	v8 =	vld [tilespmem:s21+$0x2C40]  }
0x31: {  	v9 =	vld [tilespmem:s21+$0x1200]  }
0x32: {  	v10 =	vld [tilespmem:s21+$0x1260]  }
0x33: {  	v11 =	vld [tilespmem:s21+$0x2CA0]  }
0x34: {  	v1 =	vmax.bf16 v1, v2;
	v12 =	vld [tilespmem:s21+$0x12C0]  }
0x35: {  	v3 =	vmax.bf16 v3, v4;
	v4 =	vmax.bf16 v5, v6;
	v2 =	vld [tilespmem:s21+$0x1320];
	v5 =	vmax.bf16 v7, v8  }
0x36: {  	v1 =	vmax.bf16 v1, v3;
	v6 =	vld [tilespmem:s21+$0x1380];
	v3 =	vmax.bf16 v4, v5  }
0x37: {  	v4 =	vmax.bf16 v9, v10;
	v5 =	vld [tilespmem:s21+$0x13E0];
	v1 =	vmax.bf16 v1, v3  }
0x38: {  	v3 =	vld [tilespmem:s21+$0x1440];
	v1 =	vmax.bf16 v1, v11  }
0x39: {  	v7 =	vld [tilespmem:s21+$0x14A0];
	[tilespmem:s21+$0x4AA0] =	vst v1  }
0x3a: {  	v1 =	vmax.bf16 v12, v2;
	v2 =	vld [tilespmem:s21+$0x1560]  }
0x3b: {  	v1 =	vmax.bf16 v4, v1;
	v4 =	vld [tilespmem:s21+$0x15C0]  }
0x3c: {  	v5 =	vmax.bf16 v6, v5;
	v6 =	vld [tilespmem:s21+$0x1620]  }
0x3d: {  	v8 =	vld [tilespmem:s21+$0x1680]  }
0x3e: {  	v3 =	vmax.bf16 v3, v7;
	v7 =	vld [tilespmem:s21+$0x16E0]  }
0x3f: {  	v3 =	vmax.bf16 v5, v3;
	v5 =	vld [tilespmem:s21+$0x1740]  }
0x40: {  	v1 =	vmax.bf16 v1, v3;
	v2 =	vmax.bf16 v2, v4;
	v3 =	vld [tilespmem:s21+$0x17A0]  }
0x41: {  	v4 =	vld [tilespmem:s21+$0x1800]  }
0x42: {  	v6 =	vmax.bf16 v6, v8;
	v8 =	vld [tilespmem:s21+$0x18C0]  }
0x43: {  	v2 =	vmax.bf16 v2, v6;
	v6 =	vld [tilespmem:s21+$0x1920]  }
0x44: {  	v5 =	vmax.bf16 v7, v5;
	v7 =	vld [tilespmem:s21+$0x1980]  }
0x45: {  	v9 =	vld [tilespmem:s21+$0x19E0]  }
0x46: {  	v3 =	vmax.bf16 v3, v4;
	v4 =	vld [tilespmem:s21+$0x1A40]  }
0x47: {  	v3 =	vmax.bf16 v5, v3;
	v5 =	vld [tilespmem:s21+$0x1AA0]  }
0x48: {  	v2 =	vmax.bf16 v2, v3;
	v3 =	vmax.bf16 v8, v6;
	v6 =	vld [tilespmem:s21+$0x1B00]  }
0x49: {  	v8 =	vld [tilespmem:s21+$0x1B60]  }
0x4a: {  	v7 =	vmax.bf16 v7, v9;
	v9 =	vld [tilespmem:s21+$0x1C20]  }
0x4b: {  	v3 =	vmax.bf16 v3, v7;
	v7 =	vld [tilespmem:s21+$0x1C80]  }
0x4c: {  	v4 =	vmax.bf16 v4, v5;
	v5 =	vld [tilespmem:s21+$0x1CE0]  }
0x4d: {  	v10 =	vld [tilespmem:s21+$0x1D40]  }
0x4e: {  	v6 =	vmax.bf16 v6, v8;
	v8 =	vld [tilespmem:s21+$0x1DA0]  }
0x4f: {  	v4 =	vmax.bf16 v4, v6;
	v6 =	vld [tilespmem:s21+$0x1E00]  }
0x50: {  	v3 =	vmax.bf16 v3, v4;
	v4 =	vmax.bf16 v9, v7;
	v7 =	vld [tilespmem:s21+$0x1E60]  }
0x51: {  	v9 =	vld [tilespmem:s21+$0x1EC0]  }
0x52: {  	v5 =	vmax.bf16 v5, v10;
	v10 =	vld [tilespmem:s21+$0x1F80]  }
0x53: {  	v4 =	vmax.bf16 v4, v5;
	v5 =	vld [tilespmem:s21+$0x1FE0]  }
0x54: {  	v6 =	vmax.bf16 v8, v6;
	v8 =	vld [tilespmem:s21+$0x2040]  }
0x55: {  	v11 =	vld [tilespmem:s21+$0x20A0]  }
0x56: {  	v7 =	vmax.bf16 v7, v9;
	v9 =	vld [tilespmem:s21+$0x2100]  }
0x57: {  	v6 =	vmax.bf16 v6, v7;
	v7 =	vld [tilespmem:s21+$0x2160]  }
0x58: {  	v4 =	vmax.bf16 v4, v6;
	v5 =	vmax.bf16 v10, v5;
	v6 =	vld [tilespmem:s21+$0x21C0]  }
0x59: {  	v10 =	vld [tilespmem:s21+$0x2220]  }
0x5a: {  	v8 =	vmax.bf16 v8, v11;
	v11 =	vld [tilespmem:s21+$0x22E0]  }
0x5b: {  	v5 =	vmax.bf16 v5, v8;
	v8 =	vld [tilespmem:s21+$0x2340]  }
0x5c: {  	v7 =	vmax.bf16 v9, v7;
	v9 =	vld [tilespmem:s21+$0x23A0]  }
0x5d: {  	v12 =	vld [tilespmem:s21+$0x2400]  }
0x5e: {  	v6 =	vmax.bf16 v6, v10;
	v10 =	vld [tilespmem:s21+$0x2460]  }
0x5f: {  	v6 =	vmax.bf16 v7, v6;
	v7 =	vld [tilespmem:s21+$0x24C0]  }
0x60: {  	v5 =	vmax.bf16 v5, v6;
	v6 =	vmax.bf16 v11, v8;
	v8 =	vld [tilespmem:s21+$0x2520]  }
0x61: {  	v11 =	vld [tilespmem:s21+$0x2580]  }
0x62: {  	v9 =	vmax.bf16 v9, v12;
	v12 =	vld [tilespmem:s21+$0x2640]  }
0x63: {  	v6 =	vmax.bf16 v6, v9;
	v9 =	vld [tilespmem:s21+$0x26A0]  }
0x64: {  	v7 =	vmax.bf16 v10, v7;
	v10 =	vld [tilespmem:s21+$0x2700]  }
0x65: {  	v13 =	vld [tilespmem:s21+$0x2760]  }
0x66: {  	v8 =	vmax.bf16 v8, v11;
	v11 =	vld [tilespmem:s21+$0x27C0]  }
0x67: {  	v7 =	vmax.bf16 v7, v8;
	v8 =	vld [tilespmem:s21+$0x2820]  }
0x68: {  	v6 =	vmax.bf16 v6, v7;
	v7 =	vmax.bf16 v12, v9;
	v9 =	vld [tilespmem:s21+$0x2880]  }
0x69: {  	v12 =	vld [tilespmem:s21+$0x28E0]  }
0x6a: {  	v14 =	vld [tilespmem:s21+$0x1500];
	v10 =	vmax.bf16 v10, v13  }
0x6b: {  	v13 =	vld [tilespmem:s21+$0x1860];
	v7 =	vmax.bf16 v7, v10  }
0x6c: {  	v10 =	vld [tilespmem:s21+$0x1BC0];
	v8 =	vmax.bf16 v11, v8  }
0x6d: {  	v11 =	vld [tilespmem:s21+$0x1F20]  }
0x6e: {  	v15 =	vld [tilespmem:s21+$0x2280];
	v9 =	vmax.bf16 v9, v12  }
0x6f: {  	v1 =	vmax.bf16 v1, v14;
	v12 =	vld [tilespmem:s21+$0x25E0];
	v8 =	vmax.bf16 v8, v9  }
0x70: {  	s22 =	sshra.s32 s20, $0x2;
	[tilespmem:s21+$0x4800] =	vst v1;
	v2 =	vmax.bf16 v2, v13;
	v7 =	vmax.bf16 v7, v8;
	v8 =	vld [tilespmem:s21+$0x2940]  }
0x71: {  	v1 =	vld [tilespmem:s22+$0x29A0];
	[tilespmem:s21+$0x4860] =	vst v2;
	v3 =	vmax.bf16 v3, v10  }
0x72: {  	v2 =	vld [tilespmem:s22+$0x2A00];
	[tilespmem:s21+$0x48C0] =	vst v3;
	v4 =	vmax.bf16 v4, v11  }
.Ltmp3:
0x73: {  	v3 =	vld [tilespmem:s22+$0x2A60];
	[tilespmem:s21+$0x4920] =	vst v4;
	v5 =	vmax.bf16 v5, v15;
	(pc) =	sbr.rel @p1 .LBB2_5-.Ltmp3, $4  }
0x74: {  	v4 =	vld [tilespmem:s22+$0x2AC0];
	[tilespmem:s21+$0x4980] =	vst v5;
	v6 =	vmax.bf16 v6, v12  }
0x75: {  	v5 =	vld [tilespmem:s22+$0x2B20];
	[tilespmem:s21+$0x49E0] =	vst v6;
	v7 =	vmax.bf16 v7, v8  }
0x76: {  	v6 =	vld [tilespmem:s22+$0x2B80];
	[tilespmem:s21+$0x4A40] =	vst v7;
	s21 =	smov.u32 s22  }
0x77: {  	s20 =	sadd.s32 $0x40, s20;
	v7 =	vld [tilespmem:s21+$0x2BE0]  }
0x78: {  	v8 =	vld [tilespmem:s21+$0x2C40]  }
0x79: {  	v9 =	vld [tilespmem:s21+$0x1200]  }
0x7a: {  	v10 =	vld [tilespmem:s21+$0x1260]  }
0x7b: {  	v11 =	vld [tilespmem:s21+$0x2CA0]  }
0x7c: {  	v12 =	vld [tilespmem:s21+$0x12C0]  }
0x7d: {  	v1 =	vmax.bf16 v1, v2;
	v2 =	vld [tilespmem:s21+$0x1320]  }
0x7e: {  	v59 =	vld [tilespmem:s21+$0x1380]  }
0x7f: {  	v60 =	vld [tilespmem:s21+$0x13E0]  }
0x80: {  	v61 =	vld [tilespmem:s21+$0x14A0]  }
0x81: {  	v62 =	vld [tilespmem:s21+$0x15C0]  }
0x82: {  	v63 =	vld [tilespmem:s21+$0x1620]  }
0x83: {  	v52 =	vld [tilespmem:s21+$0x1680]  }
0x84: {  	v13 =	vld [tilespmem:s21+$0x16E0]  }
0x85: {  	v14 =	vld [tilespmem:s21+$0x1740]  }
0x86: {  	v15 =	vld [tilespmem:s21+$0x17A0]  }
0x87: {  	v16 =	vld [tilespmem:s21+$0x1800]  }
0x88: {  	v17 =	vld [tilespmem:s21+$0x18C0]  }
0x89: {  	v18 =	vld [tilespmem:s21+$0x1920]  }
0x8a: {  	v19 =	vld [tilespmem:s21+$0x1980]  }
0x8b: {  	v20 =	vld [tilespmem:s21+$0x19E0]  }
0x8c: {  	v21 =	vld [tilespmem:s21+$0x1A40]  }
0x8d: {  	v22 =	vld [tilespmem:s21+$0x1AA0]  }
0x8e: {  	v23 =	vld [tilespmem:s21+$0x1B00]  }
0x8f: {  	v24 =	vld [tilespmem:s21+$0x1B60]  }
0x90: {  	v25 =	vld [tilespmem:s21+$0x1C20]  }
0x91: {  	v26 =	vld [tilespmem:s21+$0x1C80]  }
0x92: {  	v27 =	vld [tilespmem:s21+$0x1CE0]  }
0x93: {  	v28 =	vld [tilespmem:s21+$0x1D40]  }
0x94: {  	v29 =	vld [tilespmem:s21+$0x1DA0]  }
0x95: {  	v30 =	vld [tilespmem:s21+$0x1E00]  }
0x96: {  	v31 =	vld [tilespmem:s21+$0x1E60]  }
0x97: {  	v32 =	vld [tilespmem:s21+$0x1EC0]  }
0x98: {  	v33 =	vld [tilespmem:s21+$0x1F80]  }
0x99: {  	v34 =	vld [tilespmem:s21+$0x1FE0]  }
0x9a: {  	v35 =	vld [tilespmem:s21+$0x2040]  }
0x9b: {  	v36 =	vld [tilespmem:s21+$0x20A0]  }
0x9c: {  	v37 =	vld [tilespmem:s21+$0x2100]  }
0x9d: {  	v38 =	vld [tilespmem:s21+$0x2160]  }
0x9e: {  	v39 =	vld [tilespmem:s21+$0x21C0]  }
0x9f: {  	v40 =	vld [tilespmem:s21+$0x2220]  }
0xa0: {  	v41 =	vld [tilespmem:s21+$0x22E0]  }
0xa1: {  	v42 =	vld [tilespmem:s21+$0x2340]  }
0xa2: {  	v43 =	vld [tilespmem:s21+$0x23A0]  }
0xa3: {  	v44 =	vld [tilespmem:s21+$0x2400]  }
0xa4: {  	v45 =	vld [tilespmem:s21+$0x2460]  }
0xa5: {  	v46 =	vld [tilespmem:s21+$0x24C0]  }
0xa6: {  	v47 =	vld [tilespmem:s21+$0x2520]  }
0xa7: {  	v48 =	vld [tilespmem:s21+$0x2580];
	v3 =	vmax.bf16 v3, v4  }
0xa8: {  	v50 =	vld [tilespmem:s21+$0x1F20];
	v1 =	vmax.bf16 v1, v3;
	v57 =	vmax.bf16 v5, v6  }
0xa9: {  	v5 =	vld [tilespmem:s21+$0x26A0];
	v58 =	vmax.bf16 v7, v8;
	v9 =	vmax.bf16 v9, v10;
	v2 =	vmax.bf16 v12, v2  }
0xaa: {  	v10 =	vld [tilespmem:s21+$0x2640];
	v4 =	vmax.bf16 v59, v60;
	v53 =	vmax.bf16 v63, v52;
	v54 =	vmax.bf16 v13, v14  }
0xab: {  	v55 =	vmax.bf16 v15, v16;
	v8 =	vld [tilespmem:s21+$0x2820];
	v59 =	vmax.bf16 v21, v22;
	v60 =	vmax.bf16 v23, v24  }
0xac: {  	v14 =	vld [tilespmem:s21+$0x2880];
	v26 =	vmax.bf16 v25, v26;
	v27 =	vmax.bf16 v27, v28;
	v30 =	vmax.bf16 v29, v30  }
0xad: {  	v63 =	vld [tilespmem:s21+$0x28E0];
	v31 =	vmax.bf16 v31, v32;
	v33 =	vmax.bf16 v33, v34;
	v3 =	vmax.bf16 v57, v58  }
0xae: {  	v34 =	vmax.bf16 v35, v36;
	v49 =	vmax.bf16 v37, v38;
	v1 =	vmax.bf16 v1, v3;
	v3 =	vld [tilespmem:s21+$0x1440]  }
0xaf: {  	v28 =	vld [tilespmem:s21+$0x1500];
	v51 =	vmax.bf16 v39, v40;
	v52 =	vmax.bf16 v41, v42;
	v1 =	vmax.bf16 v1, v11  }
0xb0: {  	v2 =	vmax.bf16 v9, v2;
	v56 =	vmax.bf16 v54, v55;
	v57 =	vmax.bf16 v17, v18;
	[tilespmem:s21+$0x4AA0] =	vst v1;
	v1 =	vld [tilespmem:s21+$0x1560]  }
0xb1: {  	v32 =	vld [tilespmem:s21+$0x1860];
	v58 =	vmax.bf16 v19, v20;
	v7 =	vmax.bf16 v26, v27;
	v12 =	vmax.bf16 v30, v31  }
0xb2: {  	v9 =	vld [tilespmem:s21+$0x27C0];
	v36 =	vmax.bf16 v33, v34;
	v55 =	vmax.bf16 v45, v46;
	v15 =	vmax.bf16 v49, v51  }
0xb3: {  	v35 =	vld [tilespmem:s21+$0x1BC0];
	v7 =	vmax.bf16 v7, v12;
	v5 =	vmax.bf16 v10, v5;
	v3 =	vmax.bf16 v3, v61  }
0xb4: {  	v63 =	vmax.bf16 v14, v63;
	v61 =	vmax.bf16 v57, v58;
	v3 =	vmax.bf16 v4, v3;
	v4 =	vld [tilespmem:s21+$0x2700]  }
0xb5: {  	v2 =	vmax.bf16 v2, v3;
	v1 =	vmax.bf16 v1, v62;
	v3 =	vld [tilespmem:s21+$0x2760];
	v62 =	vmax.bf16 v59, v60  }
0xb6: {  	v54 =	vld [tilespmem:s21+$0x2280];
	v1 =	vmax.bf16 v1, v53;
	v6 =	vmax.bf16 v61, v62;
	v53 =	vmax.bf16 v43, v44  }
0xb7: {  	v57 =	vld [tilespmem:s21+$0x25E0];
	v2 =	vmax.bf16 v2, v28;
	v62 =	vmax.bf16 v9, v8;
	v1 =	vmax.bf16 v1, v56  }
0xb8: {  	v61 =	vld [tilespmem:s21+$0x2940];
	v56 =	vmax.bf16 v47, v48;
	v58 =	vmax.bf16 v52, v53;
	[tilespmem:s21+$0x4800] =	vst v2;
	v1 =	vmax.bf16 v1, v32  }
0xb9: {  	v2 =	vmax.bf16 v36, v15;
	v59 =	vmax.bf16 v55, v56;
	[tilespmem:s21+$0x4860] =	vst v1;
	v1 =	vmax.bf16 v6, v35  }
0xba: {  	s20 =	sshll.u32 s19, $0x4;
	p1 =	sne.s32 s19, $0x1F;
	v60 =	vmax.bf16 v58, v59;
	v3 =	vmax.bf16 v4, v3;
	[tilespmem:s21+$0x48C0] =	vst v1;
	v1 =	vmax.bf16 v7, v50  }
.Ltmp4:
0xbb: {  	s22 =	sadd.s32 s5, s20;
	v4 =	vmax.bf16 v62, v63;
	v3 =	vmax.bf16 v5, v3;
	[tilespmem:s21+$0x4920] =	vst v1;
	v1 =	vmax.bf16 v2, v54;
	(pc) =	sbr.rel @p1 .LBB2_8-.Ltmp4, $4  }
0xbc: {  	s22 =	smul.u32 $0xC, s22;
	v2 =	vmax.bf16 v3, v4;
	[tilespmem:s21+$0x4980] =	vst v1;
	v1 =	vmax.bf16 v60, v57  }
0xbd: {  	[tilespmem:s21+$0x49E0] =	vst v1;
	v1 =	vmax.bf16 v2, v61  }
0xbe: {  	s31 =	sadd.s32 s4, s22;
	[tilespmem:s21+$0x4A40] =	vst v1  }
0xbf: {  	[hbm4b:s31+s2] =	stream.linear.scatter [tilespmem:s13], [sflag:$0x3], $0x300, $0x38;
	[tilespmem:$0x4E00] =	vst v63  }
.Ltmp5:
0xc0: {  	(pc) =	sbr.rel .LBB2_9-.Ltmp5, $4  }
0xc1: {  	_ = 	snop  }
0xc2: {  	_ =	swait.ge [sflag:s14], $0x1B00  }
0xc3: {  	[sflag:s14] =	ssyncset.done $0x0  }
0xc4: {  	[sflag:s14] =	ssyncadd.s32 $0xFFFFE500  }
.LBB2_8:
0xc5: {  	s21 =	smul.u32 $0x240, s19;
	_ =	sdelay $0x1  }
0xc6: {  	s21 =	sshra.s32 s21, $0x2  }
.Ltmp6:
0xc7: {  	s21 =	sadd.s32 $0x90, s21;
	(pc) =	sbr.rel @p0 .LBB2_10-.Ltmp6, $4  }
0xc8: {  	[tilespmem:s10], [sflag:$0x1] =	stream.indirect.gather [hbm4b:s3+s9], $0x60, s21, s9, $0xb8;
	[tilespmem:$0x4E00] =	vst v63  }
0xc9: {  	_ =	swait.ge [sflag:s14], $0x1B00  }
0xca: {  	[sflag:s14] =	ssyncset.done $0x0  }
0xcb: {  	[sflag:s14] =	ssyncadd.s32 $0xFFFFE500  }
.LBB2_9:
0xcc: {  	_ =	swait.ge [sflag:s15], $0x300  }
0xcd: {  	[sflag:s15] =	ssyncset.done $0x0  }
0xce: {  	[sflag:s15] =	ssyncadd.s32 $0xFFFFFD00  }
.LBB2_10:
0xcf: {  	s21 =	simm.s32 $0x0  }
0xd0: {  	v1 =	vld [tilespmem:s21+$0x44A0]  }
0xd1: {  	v2 =	vld [tilespmem:s21+$0x4500]  }
0xd2: {  	v3 =	vld [tilespmem:s21+$0x4560]  }
0xd3: {  	v4 =	vld [tilespmem:s21+$0x45C0]  }
0xd4: {  	v5 =	vld [tilespmem:s21+$0x4620]  }
0xd5: {  	v6 =	vld [tilespmem:s21+$0x4680]  }
0xd6: {  	s22 =	simm.s32 $0x40;
	v7 =	vld [tilespmem:s21+$0x46E0]  }
.LBB2_11:
0xd7: {  	p0 =	sne.s32 s22, $0x140;
	v8 =	vld [tilespmem:s21+$0x4740]  }
0xd8: {  	v9 =	vld [tilespmem:s21+$0x2D00]  }
0xd9: {  	v10 =	vld [tilespmem:s21+$0x2D60]  }
0xda: {  	v11 =	vld [tilespmem:s21+$0x47A0]  }
0xdb: {  	v1 =	vmax.bf16 v1, v2;
	v12 =	vld [tilespmem:s21+$0x2DC0]  }
0xdc: {  	v3 =	vmax.bf16 v3, v4;
	v4 =	vmax.bf16 v5, v6;
	v2 =	vld [tilespmem:s21+$0x2E20];
	v5 =	vmax.bf16 v7, v8  }
0xdd: {  	v1 =	vmax.bf16 v1, v3;
	v6 =	vld [tilespmem:s21+$0x2E80];
	v3 =	vmax.bf16 v4, v5  }
0xde: {  	v4 =	vmax.bf16 v9, v10;
	v5 =	vld [tilespmem:s21+$0x2EE0];
	v1 =	vmax.bf16 v1, v3  }
0xdf: {  	v3 =	vld [tilespmem:s21+$0x2F40];
	v1 =	vmax.bf16 v1, v11  }
0xe0: {  	v7 =	vld [tilespmem:s21+$0x2FA0];
	[tilespmem:s21+$0x4DA0] =	vst v1  }
0xe1: {  	v1 =	vmax.bf16 v12, v2;
	v2 =	vld [tilespmem:s21+$0x3060]  }
0xe2: {  	v1 =	vmax.bf16 v4, v1;
	v4 =	vld [tilespmem:s21+$0x30C0]  }
0xe3: {  	v5 =	vmax.bf16 v6, v5;
	v6 =	vld [tilespmem:s21+$0x3120]  }
0xe4: {  	v8 =	vld [tilespmem:s21+$0x3180]  }
0xe5: {  	v3 =	vmax.bf16 v3, v7;
	v7 =	vld [tilespmem:s21+$0x31E0]  }
0xe6: {  	v3 =	vmax.bf16 v5, v3;
	v5 =	vld [tilespmem:s21+$0x3240]  }
0xe7: {  	v1 =	vmax.bf16 v1, v3;
	v2 =	vmax.bf16 v2, v4;
	v3 =	vld [tilespmem:s21+$0x32A0]  }
0xe8: {  	v4 =	vld [tilespmem:s21+$0x3300]  }
0xe9: {  	v6 =	vmax.bf16 v6, v8;
	v8 =	vld [tilespmem:s21+$0x33C0]  }
0xea: {  	v2 =	vmax.bf16 v2, v6;
	v6 =	vld [tilespmem:s21+$0x3420]  }
0xeb: {  	v5 =	vmax.bf16 v7, v5;
	v7 =	vld [tilespmem:s21+$0x3480]  }
0xec: {  	v9 =	vld [tilespmem:s21+$0x34E0]  }
0xed: {  	v3 =	vmax.bf16 v3, v4;
	v4 =	vld [tilespmem:s21+$0x3540]  }
0xee: {  	v3 =	vmax.bf16 v5, v3;
	v5 =	vld [tilespmem:s21+$0x35A0]  }
0xef: {  	v2 =	vmax.bf16 v2, v3;
	v3 =	vmax.bf16 v8, v6;
	v6 =	vld [tilespmem:s21+$0x3600]  }
0xf0: {  	v8 =	vld [tilespmem:s21+$0x3660]  }
0xf1: {  	v7 =	vmax.bf16 v7, v9;
	v9 =	vld [tilespmem:s21+$0x3720]  }
0xf2: {  	v3 =	vmax.bf16 v3, v7;
	v7 =	vld [tilespmem:s21+$0x3780]  }
0xf3: {  	v4 =	vmax.bf16 v4, v5;
	v5 =	vld [tilespmem:s21+$0x37E0]  }
0xf4: {  	v10 =	vld [tilespmem:s21+$0x3840]  }
0xf5: {  	v6 =	vmax.bf16 v6, v8;
	v8 =	vld [tilespmem:s21+$0x38A0]  }
0xf6: {  	v4 =	vmax.bf16 v4, v6;
	v6 =	vld [tilespmem:s21+$0x3900]  }
0xf7: {  	v3 =	vmax.bf16 v3, v4;
	v4 =	vmax.bf16 v9, v7;
	v7 =	vld [tilespmem:s21+$0x3960]  }
0xf8: {  	v9 =	vld [tilespmem:s21+$0x39C0]  }
0xf9: {  	v5 =	vmax.bf16 v5, v10;
	v10 =	vld [tilespmem:s21+$0x3A80]  }
0xfa: {  	v4 =	vmax.bf16 v4, v5;
	v5 =	vld [tilespmem:s21+$0x3AE0]  }
0xfb: {  	v6 =	vmax.bf16 v8, v6;
	v8 =	vld [tilespmem:s21+$0x3B40]  }
0xfc: {  	v11 =	vld [tilespmem:s21+$0x3BA0]  }
0xfd: {  	v7 =	vmax.bf16 v7, v9;
	v9 =	vld [tilespmem:s21+$0x3C00]  }
0xfe: {  	v6 =	vmax.bf16 v6, v7;
	v7 =	vld [tilespmem:s21+$0x3C60]  }
0xff: {  	v4 =	vmax.bf16 v4, v6;
	v5 =	vmax.bf16 v10, v5;
	v6 =	vld [tilespmem:s21+$0x3CC0]  }
0x100: {  	v10 =	vld [tilespmem:s21+$0x3D20]  }
0x101: {  	v8 =	vmax.bf16 v8, v11;
	v11 =	vld [tilespmem:s21+$0x3DE0]  }
0x102: {  	v5 =	vmax.bf16 v5, v8;
	v8 =	vld [tilespmem:s21+$0x3E40]  }
0x103: {  	v7 =	vmax.bf16 v9, v7;
	v9 =	vld [tilespmem:s21+$0x3EA0]  }
0x104: {  	v12 =	vld [tilespmem:s21+$0x3F00]  }
0x105: {  	v6 =	vmax.bf16 v6, v10;
	v10 =	vld [tilespmem:s21+$0x3F60]  }
0x106: {  	v6 =	vmax.bf16 v7, v6;
	v7 =	vld [tilespmem:s21+$0x3FC0]  }
0x107: {  	v5 =	vmax.bf16 v5, v6;
	v6 =	vmax.bf16 v11, v8;
	v8 =	vld [tilespmem:s21+$0x4020]  }
0x108: {  	v11 =	vld [tilespmem:s21+$0x4080]  }
0x109: {  	v9 =	vmax.bf16 v9, v12;
	v12 =	vld [tilespmem:s21+$0x4140]  }
0x10a: {  	v6 =	vmax.bf16 v6, v9;
	v9 =	vld [tilespmem:s21+$0x41A0]  }
0x10b: {  	v7 =	vmax.bf16 v10, v7;
	v10 =	vld [tilespmem:s21+$0x4200]  }
0x10c: {  	v13 =	vld [tilespmem:s21+$0x4260]  }
0x10d: {  	v8 =	vmax.bf16 v8, v11;
	v11 =	vld [tilespmem:s21+$0x42C0]  }
0x10e: {  	v7 =	vmax.bf16 v7, v8;
	v8 =	vld [tilespmem:s21+$0x4320]  }
0x10f: {  	v6 =	vmax.bf16 v6, v7;
	v7 =	vmax.bf16 v12, v9;
	v9 =	vld [tilespmem:s21+$0x4380]  }
0x110: {  	v12 =	vld [tilespmem:s21+$0x43E0]  }
0x111: {  	v14 =	vld [tilespmem:s21+$0x3000];
	v10 =	vmax.bf16 v10, v13  }
0x112: {  	v13 =	vld [tilespmem:s21+$0x3360];
	v7 =	vmax.bf16 v7, v10  }
0x113: {  	v10 =	vld [tilespmem:s21+$0x36C0];
	v8 =	vmax.bf16 v11, v8  }
0x114: {  	v11 =	vld [tilespmem:s21+$0x3A20]  }
0x115: {  	v15 =	vld [tilespmem:s21+$0x3D80];
	v9 =	vmax.bf16 v9, v12  }
0x116: {  	v1 =	vmax.bf16 v1, v14;
	v12 =	vld [tilespmem:s21+$0x40E0];
	v8 =	vmax.bf16 v8, v9  }
0x117: {  	s23 =	sshra.s32 s22, $0x2;
	[tilespmem:s21+$0x4B00] =	vst v1;
	v2 =	vmax.bf16 v2, v13;
	v7 =	vmax.bf16 v7, v8;
	v8 =	vld [tilespmem:s21+$0x4440]  }
0x118: {  	v1 =	vld [tilespmem:s23+$0x44A0];
	[tilespmem:s21+$0x4B60] =	vst v2;
	v3 =	vmax.bf16 v3, v10  }
0x119: {  	v2 =	vld [tilespmem:s23+$0x4500];
	[tilespmem:s21+$0x4BC0] =	vst v3;
	v4 =	vmax.bf16 v4, v11  }
.Ltmp7:
0x11a: {  	v3 =	vld [tilespmem:s23+$0x4560];
	[tilespmem:s21+$0x4C20] =	vst v4;
	v5 =	vmax.bf16 v5, v15;
	(pc) =	sbr.rel @p0 .LBB2_11-.Ltmp7, $4  }
0x11b: {  	v4 =	vld [tilespmem:s23+$0x45C0];
	[tilespmem:s21+$0x4C80] =	vst v5;
	v6 =	vmax.bf16 v6, v12  }
0x11c: {  	v5 =	vld [tilespmem:s23+$0x4620];
	[tilespmem:s21+$0x4CE0] =	vst v6;
	v7 =	vmax.bf16 v7, v8  }
0x11d: {  	v6 =	vld [tilespmem:s23+$0x4680];
	[tilespmem:s21+$0x4D40] =	vst v7;
	s21 =	smov.u32 s23  }
0x11e: {  	s22 =	sadd.s32 $0x40, s22;
	v7 =	vld [tilespmem:s21+$0x46E0]  }
0x11f: {  	v8 =	vld [tilespmem:s21+$0x4740]  }
0x120: {  	v9 =	vld [tilespmem:s21+$0x2D00]  }
0x121: {  	v10 =	vld [tilespmem:s21+$0x2D60]  }
0x122: {  	v11 =	vld [tilespmem:s21+$0x47A0]  }
0x123: {  	v12 =	vld [tilespmem:s21+$0x2DC0]  }
0x124: {  	v1 =	vmax.bf16 v1, v2;
	v2 =	vld [tilespmem:s21+$0x2E20]  }
0x125: {  	v59 =	vld [tilespmem:s21+$0x2E80]  }
0x126: {  	v60 =	vld [tilespmem:s21+$0x2EE0]  }
0x127: {  	v61 =	vld [tilespmem:s21+$0x2FA0]  }
0x128: {  	v62 =	vld [tilespmem:s21+$0x30C0]  }
0x129: {  	v63 =	vld [tilespmem:s21+$0x3120]  }
0x12a: {  	v52 =	vld [tilespmem:s21+$0x3180]  }
0x12b: {  	v13 =	vld [tilespmem:s21+$0x31E0]  }
0x12c: {  	v14 =	vld [tilespmem:s21+$0x3240]  }
0x12d: {  	v15 =	vld [tilespmem:s21+$0x32A0]  }
0x12e: {  	v16 =	vld [tilespmem:s21+$0x3300]  }
0x12f: {  	v17 =	vld [tilespmem:s21+$0x33C0]  }
0x130: {  	v18 =	vld [tilespmem:s21+$0x3420]  }
0x131: {  	v19 =	vld [tilespmem:s21+$0x3480]  }
0x132: {  	v20 =	vld [tilespmem:s21+$0x34E0]  }
0x133: {  	v21 =	vld [tilespmem:s21+$0x3540]  }
0x134: {  	v22 =	vld [tilespmem:s21+$0x35A0]  }
0x135: {  	v23 =	vld [tilespmem:s21+$0x3600]  }
0x136: {  	v24 =	vld [tilespmem:s21+$0x3660]  }
0x137: {  	v25 =	vld [tilespmem:s21+$0x3720]  }
0x138: {  	v26 =	vld [tilespmem:s21+$0x3780]  }
0x139: {  	v27 =	vld [tilespmem:s21+$0x37E0]  }
0x13a: {  	v28 =	vld [tilespmem:s21+$0x3840]  }
0x13b: {  	v29 =	vld [tilespmem:s21+$0x38A0]  }
0x13c: {  	v30 =	vld [tilespmem:s21+$0x3900]  }
0x13d: {  	v31 =	vld [tilespmem:s21+$0x3960]  }
0x13e: {  	v32 =	vld [tilespmem:s21+$0x39C0]  }
0x13f: {  	v33 =	vld [tilespmem:s21+$0x3A80]  }
0x140: {  	v34 =	vld [tilespmem:s21+$0x3AE0]  }
0x141: {  	v35 =	vld [tilespmem:s21+$0x3B40]  }
0x142: {  	v36 =	vld [tilespmem:s21+$0x3BA0]  }
0x143: {  	v37 =	vld [tilespmem:s21+$0x3C00]  }
0x144: {  	v38 =	vld [tilespmem:s21+$0x3C60]  }
0x145: {  	v39 =	vld [tilespmem:s21+$0x3CC0]  }
0x146: {  	v40 =	vld [tilespmem:s21+$0x3D20]  }
0x147: {  	v41 =	vld [tilespmem:s21+$0x3DE0]  }
0x148: {  	v42 =	vld [tilespmem:s21+$0x3E40]  }
0x149: {  	v43 =	vld [tilespmem:s21+$0x3EA0]  }
0x14a: {  	v44 =	vld [tilespmem:s21+$0x3F00]  }
0x14b: {  	v45 =	vld [tilespmem:s21+$0x3F60]  }
0x14c: {  	v46 =	vld [tilespmem:s21+$0x3FC0]  }
0x14d: {  	v47 =	vld [tilespmem:s21+$0x4020]  }
0x14e: {  	v48 =	vld [tilespmem:s21+$0x4080];
	v3 =	vmax.bf16 v3, v4  }
0x14f: {  	v50 =	vld [tilespmem:s21+$0x3A20];
	v1 =	vmax.bf16 v1, v3;
	v57 =	vmax.bf16 v5, v6  }
0x150: {  	v5 =	vld [tilespmem:s21+$0x41A0];
	v58 =	vmax.bf16 v7, v8;
	v9 =	vmax.bf16 v9, v10;
	v2 =	vmax.bf16 v12, v2  }
0x151: {  	v10 =	vld [tilespmem:s21+$0x4140];
	v4 =	vmax.bf16 v59, v60;
	v53 =	vmax.bf16 v63, v52;
	v54 =	vmax.bf16 v13, v14  }
0x152: {  	v55 =	vmax.bf16 v15, v16;
	v8 =	vld [tilespmem:s21+$0x4320];
	v59 =	vmax.bf16 v21, v22;
	v60 =	vmax.bf16 v23, v24  }
0x153: {  	v14 =	vld [tilespmem:s21+$0x4380];
	v26 =	vmax.bf16 v25, v26;
	v27 =	vmax.bf16 v27, v28;
	v30 =	vmax.bf16 v29, v30  }
0x154: {  	v63 =	vld [tilespmem:s21+$0x43E0];
	v31 =	vmax.bf16 v31, v32;
	v33 =	vmax.bf16 v33, v34;
	v3 =	vmax.bf16 v57, v58  }
0x155: {  	v34 =	vmax.bf16 v35, v36;
	v49 =	vmax.bf16 v37, v38;
	v1 =	vmax.bf16 v1, v3;
	v3 =	vld [tilespmem:s21+$0x2F40]  }
0x156: {  	v28 =	vld [tilespmem:s21+$0x3000];
	v51 =	vmax.bf16 v39, v40;
	v52 =	vmax.bf16 v41, v42;
	v1 =	vmax.bf16 v1, v11  }
0x157: {  	v2 =	vmax.bf16 v9, v2;
	v56 =	vmax.bf16 v54, v55;
	v57 =	vmax.bf16 v17, v18;
	[tilespmem:s21+$0x4DA0] =	vst v1;
	v1 =	vld [tilespmem:s21+$0x3060]  }
0x158: {  	v32 =	vld [tilespmem:s21+$0x3360];
	v58 =	vmax.bf16 v19, v20;
	v7 =	vmax.bf16 v26, v27;
	v12 =	vmax.bf16 v30, v31  }
0x159: {  	v9 =	vld [tilespmem:s21+$0x42C0];
	v36 =	vmax.bf16 v33, v34;
	v55 =	vmax.bf16 v45, v46;
	v15 =	vmax.bf16 v49, v51  }
0x15a: {  	v35 =	vld [tilespmem:s21+$0x36C0];
	v7 =	vmax.bf16 v7, v12;
	v5 =	vmax.bf16 v10, v5;
	v3 =	vmax.bf16 v3, v61  }
0x15b: {  	v63 =	vmax.bf16 v14, v63;
	v61 =	vmax.bf16 v57, v58;
	v3 =	vmax.bf16 v4, v3;
	v4 =	vld [tilespmem:s21+$0x4200]  }
0x15c: {  	v2 =	vmax.bf16 v2, v3;
	v1 =	vmax.bf16 v1, v62;
	v3 =	vld [tilespmem:s21+$0x4260];
	v62 =	vmax.bf16 v59, v60  }
0x15d: {  	v54 =	vld [tilespmem:s21+$0x3D80];
	v1 =	vmax.bf16 v1, v53;
	v6 =	vmax.bf16 v61, v62;
	v53 =	vmax.bf16 v43, v44  }
0x15e: {  	v57 =	vld [tilespmem:s21+$0x40E0];
	v2 =	vmax.bf16 v2, v28;
	v62 =	vmax.bf16 v9, v8;
	v1 =	vmax.bf16 v1, v56  }
0x15f: {  	v61 =	vld [tilespmem:s21+$0x4440];
	v56 =	vmax.bf16 v47, v48;
	v58 =	vmax.bf16 v52, v53;
	[tilespmem:s21+$0x4B00] =	vst v2;
	v1 =	vmax.bf16 v1, v32  }
0x160: {  	s20 =	sadd.s32 s20, s5;
	v2 =	vmax.bf16 v36, v15;
	v59 =	vmax.bf16 v55, v56;
	[tilespmem:s21+$0x4B60] =	vst v1;
	v1 =	vmax.bf16 v6, v35  }
0x161: {  	p0 =	seq.s32 s19, $0x1F;
	s20 =	smul.u32 $0xC, s20;
	v60 =	vmax.bf16 v58, v59;
	v3 =	vmax.bf16 v4, v3;
	[tilespmem:s21+$0x4BC0] =	vst v1;
	v1 =	vmax.bf16 v7, v50  }
.Ltmp8:
0x162: {  	v4 =	vmax.bf16 v62, v63;
	v3 =	vmax.bf16 v5, v3;
	[tilespmem:s21+$0x4C20] =	vst v1;
	v1 =	vmax.bf16 v2, v54;
	(pc) =	sbr.rel @p0 .LBB2_14-.Ltmp8, $4  }
0x163: {  	v2 =	vmax.bf16 v3, v4;
	[tilespmem:s21+$0x4C80] =	vst v1;
	v1 =	vmax.bf16 v60, v57  }
0x164: {  	s20 =	sadd.s32 s4, s20;
	[tilespmem:s21+$0x4CE0] =	vst v1;
	v1 =	vmax.bf16 v2, v61  }
0x165: {  	s20 =	sadd.s32 $0x60, s20;
	[tilespmem:s21+$0x4D40] =	vst v1  }
0x166: {  	[hbm4b:s20+s2] =	stream.linear.scatter [tilespmem:s16], [sflag:$0x4], $0x300, $0x38;
	[tilespmem:$0x4E00] =	vst v63  }
0x167: {  	s20 =	smul.u32 $0x240, s19  }
.Ltmp9:
0x168: {  	_ = 	snop;
	(pc) =	sbr.rel .LBB2_4-.Ltmp9, $4  }
0x169: {  	_ = 	snop  }
0x16a: {  	s20 =	sshra.s32 s20, $0x2  }
0x16b: {  	s19 =	sadd.s32 $0x1, s19;
	s20 =	sadd.s32 $0xD8, s20  }
0x16c: {  	[tilespmem:s11], [sflag:$0x2] =	stream.indirect.gather [hbm4b:s3+s9], $0x60, s20, s9, $0xb8;
	[tilespmem:$0x4E00] =	vst v63  }
.LBB2_15:
0x16d: {  	_ =	sfence.sel $0x180000  }
0x16e: {  	[bflag:$0x0] =	sbarrier.arrive $0xFFFF  }
0x16f: {  	p0 =	sne.s32 s0, $0x0;
	_ =	strace $0x90000047  }
0x170: {  	s0 =	sadd.s32 @!p0 $0x100000, s1;
	[bflag:$0x2] =	sbarrier.arrive $0xFFFF  }
0x171: {  	[sflag:s0] =	ssyncadd.tile.s32 @!p0 $0x1;
	_ =	shalt  }
.Lfunc_end2:
_tile_overlayer_lowered:
.L_overlay_start_2:
0x172: {  	(tag) =	ssettag $0x2  }
0x173: {  	s0 =	rddreg [dreg:$0x0];
	s2 =	stileid.u32  }
0x174: {  	s1 =	rddreg [dreg:$0x1];
	p0 =	sne.s32 s2, $0x0  }
0x175: {  	s3 =	rddreg [dreg:$0x2];
	[bflag:$0x3] =	sbarrier.arrive $0xFFFF;
	s2 =	simm.s32 @!p0 $0x1C05  }
0x176: {  	[timem:s3], [sflag:s2] =	dma.local @!p0 [hbm:s0], s1  }
0x177: {  	s0 =	simm.s32 @!p0 $0x5  }
0x178: {  	_ =	swait.ge @!p0 [sflag:s0], s1  }
0x179: {  	s1 =	ssub.s32 @!p0 $0x0, s1;
	[sflag:s0] =	ssyncset.done @!p0 $0x0  }
0x17a: {  	[sflag:s0] =	ssyncadd.s32 @!p0 s1  }
0x17b: {  	[bflag:$0x3] =	sbarrier.arrive $0xFFFF  }
0x17c: {  	_ =	shalt  }

</sc_bundles>
